<compile_context>
chip_gen: v7x
topology: tpu7x:2x2x1
jax: 0.10.2.dev20260603
libtpu: 0.0.44.dev20260713+nightly
codegen_flags: <defaults>
</compile_context>

<pallas_src>
import functools

import jax
import jax.numpy as jnp
from jax import lax
from jax.experimental import pallas as pl
from jax.experimental.pallas import tpu as pltpu
from jax.experimental.pallas import tpu_sc as plsc

NC, NS, L = 2, 16, 16
NW = NC * NS
BATCH, SEQ = 16384, 200
NG = SEQ // 8
NBT = BATCH // 128
BTS = 4
NUNIT = NG * (NBT // BTS)
UPT = NUNIT // NW
NSLICE = NBT // BTS


def _sc_lookup_body(params_hbm, idx_hbm, out_hbm, params_v, idx_v, out_v,
                    in_sem, out_sem):
    wid = lax.axis_index("s") * NC + lax.axis_index("c")

    pltpu.sync_copy(params_hbm, params_v)

    lane = lax.iota(jnp.int32, L)

    prods0 = [params_v[0, pl.ds(k * L, L)] * params_v[1, pl.ds(k * L, L)]
              for k in range(4)]
    prods1 = [params_v[0, pl.ds(k * L, L)] * params_v[2, pl.ds(k * L, L)]
              for k in range(4)]
    d0 = jnp.float32(0.0)
    d1 = jnp.float32(0.0)
    for k in range(4):
        for j in range(L):
            if k * L + j < 50:
                d0 = d0 + prods0[k][j]
                d1 = d1 + prods1[k][j]
    brow = params_v[3, pl.ds(0, L)]
    b0 = brow[0]
    b1 = brow[1]
    l0 = d0 + b0
    l1 = d1 + b1

    m_z = jnp.maximum(b0, b1)
    m_o = jnp.maximum(l0, l1)
    shifted = jnp.where(lane == 0, jnp.full((L,), b0 - m_z, jnp.float32),
              jnp.where(lane == 1, jnp.full((L,), b1 - m_z, jnp.float32),
              jnp.where(lane == 2, jnp.full((L,), l0 - m_o, jnp.float32),
                        jnp.full((L,), l1 - m_o, jnp.float32))))
    evec = jnp.exp(shifted)
    denom = jnp.where(lane < 2, jnp.full((L,), evec[0] + evec[1], jnp.float32),
                      jnp.full((L,), evec[2] + evec[3], jnp.float32))
    pvec = evec / denom
    pz0 = pvec[0]
    pz1 = pvec[1]
    c0 = jnp.full((L,), pz0, jnp.float32)
    c1 = jnp.full((L,), pz1, jnp.float32)
    d0v = jnp.full((L,), pvec[2] - pz0, jnp.float32)
    d1v = jnp.full((L,), pvec[3] - pz1, jnp.float32)

    def in_copy(i, b):
        u = wid * UPT + i
        g = lax.shift_right_logical(u, 5)
        s = u & (NSLICE - 1)
        return pltpu.make_async_copy(
            idx_hbm.at[g, pl.ds(BTS * s, BTS)], idx_v.at[b], in_sem.at[b])

    def out_copy(i, b):
        u = wid * UPT + i
        g = lax.shift_right_logical(u, 5)
        s = u & (NSLICE - 1)
        return pltpu.make_async_copy(
            out_v.at[b],
            out_hbm.at[pl.ds(8 * g, 8), pl.ds(BTS * s, BTS)], out_sem.at[b])

    for p in range(3):
        in_copy(p, p).start()

    def unit_body(i, carry):
        b = i & 3
        in_copy(i, b).wait()

        @pl.when(i + 3 < UPT)
        def _():
            in_copy(i + 3, (i + 3) & 3).start()

        @pl.when(i >= 4)
        def _():
            out_copy(i - 4, b).wait()

        def k_body(k, carry2):
            bt = lax.shift_right_logical(k, 3)
            sl = k & 7
            fs = [idx_v[b, bt, sl, pl.ds(j * L, L)].astype(jnp.float32)
                  for j in range(128 // L)]
            for j in range(128 // L):
                out_v[b, sl, bt, 0, pl.ds(j * L, L)] = c0 + fs[j] * d0v
                out_v[b, sl, bt, 1, pl.ds(j * L, L)] = c1 + fs[j] * d1v
            return carry2

        lax.fori_loop(0, BTS * 8, k_body, 0, unroll=2)
        out_copy(i, b).start()
        return carry

    lax.fori_loop(0, UPT, unit_body, 0)
    for p in range(4):
        out_copy(UPT - 4 + p, (UPT - 4 + p) & 3).wait()


@functools.partial(
    pl.kernel,
    mesh=plsc.VectorSubcoreMesh(core_axis_name="c", subcore_axis_name="s"),
    compiler_params=pltpu.CompilerParams(needs_layout_passes=False),
    out_type=jax.ShapeDtypeStruct((SEQ, NBT, 2, 128), jnp.float32),
    scratch_types=[
        pltpu.VMEM((4, 64), jnp.float32),
        pltpu.VMEM((4, BTS, 8, 128), jnp.int32),
        pltpu.VMEM((4, 8, BTS, 2, 128), jnp.float32),
        pltpu.SemaphoreType.DMA((4,)),
        pltpu.SemaphoreType.DMA((4,)),
    ],
)
def _sc_lookup(params_hbm, idx_hbm, out_hbm, params_v, idx_v, out_v,
               in_sem, out_sem):
    _sc_lookup_body(params_hbm, idx_hbm, out_hbm, params_v, idx_v, out_v,
                    in_sem, out_sem)


def kernel(x_indices, t, embedding_weight, readout_w, readout_b):
    del t
    emb1 = jnp.pad(embedding_weight[1], (0, 64 - 50))
    w0 = jnp.pad(readout_w[0], (0, 64 - 50))
    w1 = jnp.pad(readout_w[1], (0, 64 - 50))
    brow = jnp.pad(readout_b, (0, 64 - 2))
    params = jnp.stack([emb1, w0, w1, brow])
    v = jnp.swapaxes(x_indices, 0, 1).reshape(NG, 8, NBT, 128)
    v = v.transpose(0, 2, 1, 3)
    out = _sc_lookup(params, v)
    return out.transpose(1, 3, 0, 2).reshape(BATCH, SEQ, 2)

# --- scband reference (transcript-rebuilt; emitter-appended) ---
"""Pipeline reference for scband-mlp-11879879543395 (READ-ONLY COPY).

The authoritative reference and input builder live on the scoring server;
editing this copy changes nothing except your own understanding.
"""

import jax, jax.numpy as jnp
import numpy as np

LENGTH = 200

def setup_inputs(seed: int = 0) -> dict:
    key = jax.random.key(seed)
    k1, k2, k3 = jax.random.split(key, 3)
    x_indices = jax.random.randint(k1, (16384, LENGTH), 0, 2, dtype=jnp.int32)
    embedding_weight = jax.random.normal(k2, (2, 50), dtype=jnp.float32)
    readout_w = jax.random.normal(k3, (2, 50), dtype=jnp.float32) * 0.1
    readout_b = jnp.zeros((2,), dtype=jnp.float32)
    return {"x_indices": x_indices, "t": 0, "embedding_weight": embedding_weight, "readout_w": readout_w, "readout_b": readout_b}

def reference(x_indices, t, embedding_weight, readout_w, readout_b):
    # nn.Embedding(2, 50, padding_idx=0): row 0 acts as zero padding vector
    emb = embedding_weight.at[0].set(0.0)
    x = jnp.take(emb, x_indices, axis=0)  # [B, L, 50]
    x = x.reshape((x.shape[0], LENGTH, -1))
    logits = x @ readout_w.T + readout_b  # Linear(50, 2)
    return jax.nn.softmax(logits, axis=-1)

if __name__ == "__main__":
    import jax
    _d = setup_inputs()
    print(jax.jit(kernel)(*tuple(_d.values())))

</pallas_src>

<mosaic_0001>
#map = affine_map<(d0, d1) -> (0, 0)>
#map1 = affine_map<(d0, d1) -> (0, 0, 0, 0)>
module attributes {stable_mosaic.version = 14 : i64} {
  func.func @_sc_lookup(%arg0: i32, %arg1: i32, %arg2: memref<4x64xf32, #tpu.memory_space<hbm>>, %arg3: memref<25x128x8x128xi32, #tpu.memory_space<hbm>>, %arg4: memref<200x128x2x128xf32, #tpu.memory_space<hbm>>, %arg5: memref<4x64xf32, #tpu.memory_space<vmem>>, %arg6: memref<4x4x8x128xi32, #tpu.memory_space<vmem>>, %arg7: memref<4x8x4x2x128xf32, #tpu.memory_space<vmem>>, %arg8: memref<4x!tpu.dma_semaphore, #tpu.memory_space<semaphore_mem>>, %arg9: memref<4x!tpu.dma_semaphore, #tpu.memory_space<semaphore_mem>>) attributes {dimension_semantics = [#tpu.dimension_semantics<core_parallel>, #tpu.dimension_semantics<subcore_parallel>], iteration_bounds = array<i64: 2, 16>, scalar_prefetch = 0 : i64, scratch_operands = 5 : i64, tpu.core_type = #tpu.core_type<sc_vector_subcore>, window_params = [{transform_indices = #map}, {transform_indices = #map1}, {transform_indices = #map1}]} {
    %mul3A = arith.constant 2 : i32
    %mul3A_0 = arith.muli %arg1, %mul3A : i32
    %add3A = arith.addi %mul3A_0, %arg0 : i32
    "tpu.region"() ({
      %run_scoped3A = tpu.sem_alloc : memref<!tpu.dma_semaphore, #tpu.memory_space<semaphore_mem>>
      tpu.enqueue_dma source(%arg2 : memref<4x64xf32, #tpu.memory_space<hbm>>) target(%arg5 : memref<4x64xf32, #tpu.memory_space<vmem>>) target_semaphore(%run_scoped3A : memref<!tpu.dma_semaphore, #tpu.memory_space<semaphore_mem>>)
      tpu.wait_dma2 semaphore(%run_scoped3A : memref<!tpu.dma_semaphore, #tpu.memory_space<semaphore_mem>>) src(%arg2 : memref<4x64xf32, #tpu.memory_space<hbm>>) dst(%arg5 : memref<4x64xf32, #tpu.memory_space<vmem>>)
      tpu.yield
    }) : () -> ()
    %iota3A = tpu.iota {dimensions = array<i32: 0>} : vector<16xi32>
    %get3A = arith.constant 0 : i32
    %get3A_1 = arith.index_cast %get3A : i32 to index
    %get3A_2 = arith.constant 0 : index
    %get3A_3 = tpu.vector_load %arg5[%get3A_1, %get3A_2] {strides = array<i32>} : memref<4x64xf32, #tpu.memory_space<vmem>>, vector<16xf32>,
    %get3A_4 = arith.constant 1 : i32
    %get3A_5 = arith.index_cast %get3A_4 : i32 to index
    %get3A_6 = arith.constant 0 : index
    %get3A_7 = tpu.vector_load %arg5[%get3A_5, %get3A_6] {strides = array<i32>} : memref<4x64xf32, #tpu.memory_space<vmem>>, vector<16xf32>,
    %mul3A_8 = arith.mulf %get3A_3, %get3A_7 : vector<16xf32>
    %get3A_9 = arith.constant 0 : i32
    %get3A_10 = arith.index_cast %get3A_9 : i32 to index
    %get3A_11 = arith.constant 16 : index
    %get3A_12 = tpu.vector_load %arg5[%get3A_10, %get3A_11] {strides = array<i32>} : memref<4x64xf32, #tpu.memory_space<vmem>>, vector<16xf32>,
    %get3A_13 = arith.constant 1 : i32
    %get3A_14 = arith.index_cast %get3A_13 : i32 to index
    %get3A_15 = arith.constant 16 : index
    %get3A_16 = tpu.vector_load %arg5[%get3A_14, %get3A_15] {strides = array<i32>} : memref<4x64xf32, #tpu.memory_space<vmem>>, vector<16xf32>,
    %mul3A_17 = arith.mulf %get3A_12, %get3A_16 : vector<16xf32>
    %get3A_18 = arith.constant 0 : i32
    %get3A_19 = arith.index_cast %get3A_18 : i32 to index
    %get3A_20 = arith.constant 32 : index
    %get3A_21 = tpu.vector_load %arg5[%get3A_19, %get3A_20] {strides = array<i32>} : memref<4x64xf32, #tpu.memory_space<vmem>>, vector<16xf32>,
    %get3A_22 = arith.constant 1 : i32
    %get3A_23 = arith.index_cast %get3A_22 : i32 to index
    %get3A_24 = arith.constant 32 : index
    %get3A_25 = tpu.vector_load %arg5[%get3A_23, %get3A_24] {strides = array<i32>} : memref<4x64xf32, #tpu.memory_space<vmem>>, vector<16xf32>,
    %mul3A_26 = arith.mulf %get3A_21, %get3A_25 : vector<16xf32>
    %get3A_27 = arith.constant 0 : i32
    %get3A_28 = arith.index_cast %get3A_27 : i32 to index
    %get3A_29 = arith.constant 48 : index
    %get3A_30 = tpu.vector_load %arg5[%get3A_28, %get3A_29] {strides = array<i32>} : memref<4x64xf32, #tpu.memory_space<vmem>>, vector<16xf32>,
    %get3A_31 = arith.constant 1 : i32
    %get3A_32 = arith.index_cast %get3A_31 : i32 to index
    %get3A_33 = arith.constant 48 : index
    %get3A_34 = tpu.vector_load %arg5[%get3A_32, %get3A_33] {strides = array<i32>} : memref<4x64xf32, #tpu.memory_space<vmem>>, vector<16xf32>,
    %mul3A_35 = arith.mulf %get3A_30, %get3A_34 : vector<16xf32>
    %get3A_36 = arith.constant 0 : i32
    %get3A_37 = arith.index_cast %get3A_36 : i32 to index
    %get3A_38 = arith.constant 0 : index
    %get3A_39 = tpu.vector_load %arg5[%get3A_37, %get3A_38] {strides = array<i32>} : memref<4x64xf32, #tpu.memory_space<vmem>>, vector<16xf32>,
    %get3A_40 = arith.constant 2 : i32
    %get3A_41 = arith.index_cast %get3A_40 : i32 to index
    %get3A_42 = arith.constant 0 : index
    %get3A_43 = tpu.vector_load %arg5[%get3A_41, %get3A_42] {strides = array<i32>} : memref<4x64xf32, #tpu.memory_space<vmem>>, vector<16xf32>,
    %mul3A_44 = arith.mulf %get3A_39, %get3A_43 : vector<16xf32>
    %get3A_45 = arith.constant 0 : i32
    %get3A_46 = arith.index_cast %get3A_45 : i32 to index
    %get3A_47 = arith.constant 16 : index
    %get3A_48 = tpu.vector_load %arg5[%get3A_46, %get3A_47] {strides = array<i32>} : memref<4x64xf32, #tpu.memory_space<vmem>>, vector<16xf32>,
    %get3A_49 = arith.constant 2 : i32
    %get3A_50 = arith.index_cast %get3A_49 : i32 to index
    %get3A_51 = arith.constant 16 : index
    %get3A_52 = tpu.vector_load %arg5[%get3A_50, %get3A_51] {strides = array<i32>} : memref<4x64xf32, #tpu.memory_space<vmem>>, vector<16xf32>,
    %mul3A_53 = arith.mulf %get3A_48, %get3A_52 : vector<16xf32>
    %get3A_54 = arith.constant 0 : i32
    %get3A_55 = arith.index_cast %get3A_54 : i32 to index
    %get3A_56 = arith.constant 32 : index
    %get3A_57 = tpu.vector_load %arg5[%get3A_55, %get3A_56] {strides = array<i32>} : memref<4x64xf32, #tpu.memory_space<vmem>>, vector<16xf32>,
    %get3A_58 = arith.constant 2 : i32
    %get3A_59 = arith.index_cast %get3A_58 : i32 to index
    %get3A_60 = arith.constant 32 : index
    %get3A_61 = tpu.vector_load %arg5[%get3A_59, %get3A_60] {strides = array<i32>} : memref<4x64xf32, #tpu.memory_space<vmem>>, vector<16xf32>,
    %mul3A_62 = arith.mulf %get3A_57, %get3A_61 : vector<16xf32>
    %get3A_63 = arith.constant 0 : i32
    %get3A_64 = arith.index_cast %get3A_63 : i32 to index
    %get3A_65 = arith.constant 48 : index
    %get3A_66 = tpu.vector_load %arg5[%get3A_64, %get3A_65] {strides = array<i32>} : memref<4x64xf32, #tpu.memory_space<vmem>>, vector<16xf32>,
    %get3A_67 = arith.constant 2 : i32
    %get3A_68 = arith.index_cast %get3A_67 : i32 to index
    %get3A_69 = arith.constant 48 : index
    %get3A_70 = tpu.vector_load %arg5[%get3A_68, %get3A_69] {strides = array<i32>} : memref<4x64xf32, #tpu.memory_space<vmem>>, vector<16xf32>,
    %mul3A_71 = arith.mulf %get3A_66, %get3A_70 : vector<16xf32>
    %slice3A = vector.extract_strided_slice %mul3A_8 {offsets = [0], sizes = [1], strides = [1]} : vector<16xf32> to vector<1xf32>
    %squeeze3A = vector.extract %slice3A[0] : f32 from vector<1xf32>
    %add3A_72 = arith.constant 0.000000e+00 : f32
    %add3A_73 = arith.addf %add3A_72, %squeeze3A : f32
    %slice3A_74 = vector.extract_strided_slice %mul3A_44 {offsets = [0], sizes = [1], strides = [1]} : vector<16xf32> to vector<1xf32>
    %squeeze3A_75 = vector.extract %slice3A_74[0] : f32 from vector<1xf32>
    %add3A_76 = arith.constant 0.000000e+00 : f32
    %add3A_77 = arith.addf %add3A_76, %squeeze3A_75 : f32
    %slice3A_78 = vector.extract_strided_slice %mul3A_8 {offsets = [1], sizes = [1], strides = [1]} : vector<16xf32> to vector<1xf32>
    %squeeze3A_79 = vector.extract %slice3A_78[0] : f32 from vector<1xf32>
    %add3A_80 = arith.addf %add3A_73, %squeeze3A_79 : f32
    %slice3A_81 = vector.extract_strided_slice %mul3A_44 {offsets = [1], sizes = [1], strides = [1]} : vector<16xf32> to vector<1xf32>
    %squeeze3A_82 = vector.extract %slice3A_81[0] : f32 from vector<1xf32>
    %add3A_83 = arith.addf %add3A_77, %squeeze3A_82 : f32
    %slice3A_84 = vector.extract_strided_slice %mul3A_8 {offsets = [2], sizes = [1], strides = [1]} : vector<16xf32> to vector<1xf32>
    %squeeze3A_85 = vector.extract %slice3A_84[0] : f32 from vector<1xf32>
    %add3A_86 = arith.addf %add3A_80, %squeeze3A_85 : f32
    %slice3A_87 = vector.extract_strided_slice %mul3A_44 {offsets = [2], sizes = [1], strides = [1]} : vector<16xf32> to vector<1xf32>
    %squeeze3A_88 = vector.extract %slice3A_87[0] : f32 from vector<1xf32>
    %add3A_89 = arith.addf %add3A_83, %squeeze3A_88 : f32
    %slice3A_90 = vector.extract_strided_slice %mul3A_8 {offsets = [3], sizes = [1], strides = [1]} : vector<16xf32> to vector<1xf32>
    %squeeze3A_91 = vector.extract %slice3A_90[0] : f32 from vector<1xf32>
    %add3A_92 = arith.addf %add3A_86, %squeeze3A_91 : f32
    %slice3A_93 = vector.extract_strided_slice %mul3A_44 {offsets = [3], sizes = [1], strides = [1]} : vector<16xf32> to vector<1xf32>
    %squeeze3A_94 = vector.extract %slice3A_93[0] : f32 from vector<1xf32>
    %add3A_95 = arith.addf %add3A_89, %squeeze3A_94 : f32
    %slice3A_96 = vector.extract_strided_slice %mul3A_8 {offsets = [4], sizes = [1], strides = [1]} : vector<16xf32> to vector<1xf32>
    %squeeze3A_97 = vector.extract %slice3A_96[0] : f32 from vector<1xf32>
    %add3A_98 = arith.addf %add3A_92, %squeeze3A_97 : f32
    %slice3A_99 = vector.extract_strided_slice %mul3A_44 {offsets = [4], sizes = [1], strides = [1]} : vector<16xf32> to vector<1xf32>
    %squeeze3A_100 = vector.extract %slice3A_99[0] : f32 from vector<1xf32>
    %add3A_101 = arith.addf %add3A_95, %squeeze3A_100 : f32
    %slice3A_102 = vector.extract_strided_slice %mul3A_8 {offsets = [5], sizes = [1], strides = [1]} : vector<16xf32> to vector<1xf32>
    %squeeze3A_103 = vector.extract %slice3A_102[0] : f32 from vector<1xf32>
    %add3A_104 = arith.addf %add3A_98, %squeeze3A_103 : f32
    %slice3A_105 = vector.extract_strided_slice %mul3A_44 {offsets = [5], sizes = [1], strides = [1]} : vector<16xf32> to vector<1xf32>
    %squeeze3A_106 = vector.extract %slice3A_105[0] : f32 from vector<1xf32>
    %add3A_107 = arith.addf %add3A_101, %squeeze3A_106 : f32
    %slice3A_108 = vector.extract_strided_slice %mul3A_8 {offsets = [6], sizes = [1], strides = [1]} : vector<16xf32> to vector<1xf32>
    %squeeze3A_109 = vector.extract %slice3A_108[0] : f32 from vector<1xf32>
    %add3A_110 = arith.addf %add3A_104, %squeeze3A_109 : f32
    %slice3A_111 = vector.extract_strided_slice %mul3A_44 {offsets = [6], sizes = [1], strides = [1]} : vector<16xf32> to vector<1xf32>
    %squeeze3A_112 = vector.extract %slice3A_111[0] : f32 from vector<1xf32>
    %add3A_113 = arith.addf %add3A_107, %squeeze3A_112 : f32
    %slice3A_114 = vector.extract_strided_slice %mul3A_8 {offsets = [7], sizes = [1], strides = [1]} : vector<16xf32> to vector<1xf32>
    %squeeze3A_115 = vector.extract %slice3A_114[0] : f32 from vector<1xf32>
    %add3A_116 = arith.addf %add3A_110, %squeeze3A_115 : f32
    %slice3A_117 = vector.extract_strided_slice %mul3A_44 {offsets = [7], sizes = [1], strides = [1]} : vector<16xf32> to vector<1xf32>
    %squeeze3A_118 = vector.extract %slice3A_117[0] : f32 from vector<1xf32>
    %add3A_119 = arith.addf %add3A_113, %squeeze3A_118 : f32
    %slice3A_120 = vector.extract_strided_slice %mul3A_8 {offsets = [8], sizes = [1], strides = [1]} : vector<16xf32> to vector<1xf32>
    %squeeze3A_121 = vector.extract %slice3A_120[0] : f32 from vector<1xf32>
    %add3A_122 = arith.addf %add3A_116, %squeeze3A_121 : f32
    %slice3A_123 = vector.extract_strided_slice %mul3A_44 {offsets = [8], sizes = [1], strides = [1]} : vector<16xf32> to vector<1xf32>
    %squeeze3A_124 = vector.extract %slice3A_123[0] : f32 from vector<1xf32>
    %add3A_125 = arith.addf %add3A_119, %squeeze3A_124 : f32
    %slice3A_126 = vector.extract_strided_slice %mul3A_8 {offsets = [9], sizes = [1], strides = [1]} : vector<16xf32> to vector<1xf32>
    %squeeze3A_127 = vector.extract %slice3A_126[0] : f32 from vector<1xf32>
    %add3A_128 = arith.addf %add3A_122, %squeeze3A_127 : f32
    %slice3A_129 = vector.extract_strided_slice %mul3A_44 {offsets = [9], sizes = [1], strides = [1]} : vector<16xf32> to vector<1xf32>
    %squeeze3A_130 = vector.extract %slice3A_129[0] : f32 from vector<1xf32>
    %add3A_131 = arith.addf %add3A_125, %squeeze3A_130 : f32
    %slice3A_132 = vector.extract_strided_slice %mul3A_8 {offsets = [10], sizes = [1], strides = [1]} : vector<16xf32> to vector<1xf32>
    %squeeze3A_133 = vector.extract %slice3A_132[0] : f32 from vector<1xf32>
    %add3A_134 = arith.addf %add3A_128, %squeeze3A_133 : f32
    %slice3A_135 = vector.extract_strided_slice %mul3A_44 {offsets = [10], sizes = [1], strides = [1]} : vector<16xf32> to vector<1xf32>
    %squeeze3A_136 = vector.extract %slice3A_135[0] : f32 from vector<1xf32>
    %add3A_137 = arith.addf %add3A_131, %squeeze3A_136 : f32
    %slice3A_138 = vector.extract_strided_slice %mul3A_8 {offsets = [11], sizes = [1], strides = [1]} : vector<16xf32> to vector<1xf32>
    %squeeze3A_139 = vector.extract %slice3A_138[0] : f32 from vector<1xf32>
    %add3A_140 = arith.addf %add3A_134, %squeeze3A_139 : f32
    %slice3A_141 = vector.extract_strided_slice %mul3A_44 {offsets = [11], sizes = [1], strides = [1]} : vector<16xf32> to vector<1xf32>
    %squeeze3A_142 = vector.extract %slice3A_141[0] : f32 from vector<1xf32>
    %add3A_143 = arith.addf %add3A_137, %squeeze3A_142 : f32
    %slice3A_144 = vector.extract_strided_slice %mul3A_8 {offsets = [12], sizes = [1], strides = [1]} : vector<16xf32> to vector<1xf32>
    %squeeze3A_145 = vector.extract %slice3A_144[0] : f32 from vector<1xf32>
    %add3A_146 = arith.addf %add3A_140, %squeeze3A_145 : f32
    %slice3A_147 = vector.extract_strided_slice %mul3A_44 {offsets = [12], sizes = [1], strides = [1]} : vector<16xf32> to vector<1xf32>
    %squeeze3A_148 = vector.extract %slice3A_147[0] : f32 from vector<1xf32>
    %add3A_149 = arith.addf %add3A_143, %squeeze3A_148 : f32
    %slice3A_150 = vector.extract_strided_slice %mul3A_8 {offsets = [13], sizes = [1], strides = [1]} : vector<16xf32> to vector<1xf32>
    %squeeze3A_151 = vector.extract %slice3A_150[0] : f32 from vector<1xf32>
    %add3A_152 = arith.addf %add3A_146, %squeeze3A_151 : f32
    %slice3A_153 = vector.extract_strided_slice %mul3A_44 {offsets = [13], sizes = [1], strides = [1]} : vector<16xf32> to vector<1xf32>
    %squeeze3A_154 = vector.extract %slice3A_153[0] : f32 from vector<1xf32>
    %add3A_155 = arith.addf %add3A_149, %squeeze3A_154 : f32
    %slice3A_156 = vector.extract_strided_slice %mul3A_8 {offsets = [14], sizes = [1], strides = [1]} : vector<16xf32> to vector<1xf32>
    %squeeze3A_157 = vector.extract %slice3A_156[0] : f32 from vector<1xf32>
    %add3A_158 = arith.addf %add3A_152, %squeeze3A_157 : f32
    %slice3A_159 = vector.extract_strided_slice %mul3A_44 {offsets = [14], sizes = [1], strides = [1]} : vector<16xf32> to vector<1xf32>
    %squeeze3A_160 = vector.extract %slice3A_159[0] : f32 from vector<1xf32>
    %add3A_161 = arith.addf %add3A_155, %squeeze3A_160 : f32
    %slice3A_162 = vector.extract_strided_slice %mul3A_8 {offsets = [15], sizes = [1], strides = [1]} : vector<16xf32> to vector<1xf32>
    %squeeze3A_163 = vector.extract %slice3A_162[0] : f32 from vector<1xf32>
    %add3A_164 = arith.addf %add3A_158, %squeeze3A_163 : f32
    %slice3A_165 = vector.extract_strided_slice %mul3A_44 {offsets = [15], sizes = [1], strides = [1]} : vector<16xf32> to vector<1xf32>
    %squeeze3A_166 = vector.extract %slice3A_165[0] : f32 from vector<1xf32>
    %add3A_167 = arith.addf %add3A_161, %squeeze3A_166 : f32
    %slice3A_168 = vector.extract_strided_slice %mul3A_17 {offsets = [0], sizes = [1], strides = [1]} : vector<16xf32> to vector<1xf32>
    %squeeze3A_169 = vector.extract %slice3A_168[0] : f32 from vector<1xf32>
    %add3A_170 = arith.addf %add3A_164, %squeeze3A_169 : f32
    %slice3A_171 = vector.extract_strided_slice %mul3A_53 {offsets = [0], sizes = [1], strides = [1]} : vector<16xf32> to vector<1xf32>
    %squeeze3A_172 = vector.extract %slice3A_171[0] : f32 from vector<1xf32>
    %add3A_173 = arith.addf %add3A_167, %squeeze3A_172 : f32
    %slice3A_174 = vector.extract_strided_slice %mul3A_17 {offsets = [1], sizes = [1], strides = [1]} : vector<16xf32> to vector<1xf32>
    %squeeze3A_175 = vector.extract %slice3A_174[0] : f32 from vector<1xf32>
    %add3A_176 = arith.addf %add3A_170, %squeeze3A_175 : f32
    %slice3A_177 = vector.extract_strided_slice %mul3A_53 {offsets = [1], sizes = [1], strides = [1]} : vector<16xf32> to vector<1xf32>
    %squeeze3A_178 = vector.extract %slice3A_177[0] : f32 from vector<1xf32>
    %add3A_179 = arith.addf %add3A_173, %squeeze3A_178 : f32
    %slice3A_180 = vector.extract_strided_slice %mul3A_17 {offsets = [2], sizes = [1], strides = [1]} : vector<16xf32> to vector<1xf32>
    %squeeze3A_181 = vector.extract %slice3A_180[0] : f32 from vector<1xf32>
    %add3A_182 = arith.addf %add3A_176, %squeeze3A_181 : f32
    %slice3A_183 = vector.extract_strided_slice %mul3A_53 {offsets = [2], sizes = [1], strides = [1]} : vector<16xf32> to vector<1xf32>
    %squeeze3A_184 = vector.extract %slice3A_183[0] : f32 from vector<1xf32>
    %add3A_185 = arith.addf %add3A_179, %squeeze3A_184 : f32
    %slice3A_186 = vector.extract_strided_slice %mul3A_17 {offsets = [3], sizes = [1], strides = [1]} : vector<16xf32> to vector<1xf32>
    %squeeze3A_187 = vector.extract %slice3A_186[0] : f32 from vector<1xf32>
    %add3A_188 = arith.addf %add3A_182, %squeeze3A_187 : f32
    %slice3A_189 = vector.extract_strided_slice %mul3A_53 {offsets = [3], sizes = [1], strides = [1]} : vector<16xf32> to vector<1xf32>
    %squeeze3A_190 = vector.extract %slice3A_189[0] : f32 from vector<1xf32>
    %add3A_191 = arith.addf %add3A_185, %squeeze3A_190 : f32
    %slice3A_192 = vector.extract_strided_slice %mul3A_17 {offsets = [4], sizes = [1], strides = [1]} : vector<16xf32> to vector<1xf32>
    %squeeze3A_193 = vector.extract %slice3A_192[0] : f32 from vector<1xf32>
    %add3A_194 = arith.addf %add3A_188, %squeeze3A_193 : f32
    %slice3A_195 = vector.extract_strided_slice %mul3A_53 {offsets = [4], sizes = [1], strides = [1]} : vector<16xf32> to vector<1xf32>
    %squeeze3A_196 = vector.extract %slice3A_195[0] : f32 from vector<1xf32>
    %add3A_197 = arith.addf %add3A_191, %squeeze3A_196 : f32
    %slice3A_198 = vector.extract_strided_slice %mul3A_17 {offsets = [5], sizes = [1], strides = [1]} : vector<16xf32> to vector<1xf32>
    %squeeze3A_199 = vector.extract %slice3A_198[0] : f32 from vector<1xf32>
    %add3A_200 = arith.addf %add3A_194, %squeeze3A_199 : f32
    %slice3A_201 = vector.extract_strided_slice %mul3A_53 {offsets = [5], sizes = [1], strides = [1]} : vector<16xf32> to vector<1xf32>
    %squeeze3A_202 = vector.extract %slice3A_201[0] : f32 from vector<1xf32>
    %add3A_203 = arith.addf %add3A_197, %squeeze3A_202 : f32
    %slice3A_204 = vector.extract_strided_slice %mul3A_17 {offsets = [6], sizes = [1], strides = [1]} : vector<16xf32> to vector<1xf32>
    %squeeze3A_205 = vector.extract %slice3A_204[0] : f32 from vector<1xf32>
    %add3A_206 = arith.addf %add3A_200, %squeeze3A_205 : f32
    %slice3A_207 = vector.extract_strided_slice %mul3A_53 {offsets = [6], sizes = [1], strides = [1]} : vector<16xf32> to vector<1xf32>
    %squeeze3A_208 = vector.extract %slice3A_207[0] : f32 from vector<1xf32>
    %add3A_209 = arith.addf %add3A_203, %squeeze3A_208 : f32
    %slice3A_210 = vector.extract_strided_slice %mul3A_17 {offsets = [7], sizes = [1], strides = [1]} : vector<16xf32> to vector<1xf32>
    %squeeze3A_211 = vector.extract %slice3A_210[0] : f32 from vector<1xf32>
    %add3A_212 = arith.addf %add3A_206, %squeeze3A_211 : f32
    %slice3A_213 = vector.extract_strided_slice %mul3A_53 {offsets = [7], sizes = [1], strides = [1]} : vector<16xf32> to vector<1xf32>
    %squeeze3A_214 = vector.extract %slice3A_213[0] : f32 from vector<1xf32>
    %add3A_215 = arith.addf %add3A_209, %squeeze3A_214 : f32
    %slice3A_216 = vector.extract_strided_slice %mul3A_17 {offsets = [8], sizes = [1], strides = [1]} : vector<16xf32> to vector<1xf32>
    %squeeze3A_217 = vector.extract %slice3A_216[0] : f32 from vector<1xf32>
    %add3A_218 = arith.addf %add3A_212, %squeeze3A_217 : f32
    %slice3A_219 = vector.extract_strided_slice %mul3A_53 {offsets = [8], sizes = [1], strides = [1]} : vector<16xf32> to vector<1xf32>
    %squeeze3A_220 = vector.extract %slice3A_219[0] : f32 from vector<1xf32>
    %add3A_221 = arith.addf %add3A_215, %squeeze3A_220 : f32
    %slice3A_222 = vector.extract_strided_slice %mul3A_17 {offsets = [9], sizes = [1], strides = [1]} : vector<16xf32> to vector<1xf32>
    %squeeze3A_223 = vector.extract %slice3A_222[0] : f32 from vector<1xf32>
    %add3A_224 = arith.addf %add3A_218, %squeeze3A_223 : f32
    %slice3A_225 = vector.extract_strided_slice %mul3A_53 {offsets = [9], sizes = [1], strides = [1]} : vector<16xf32> to vector<1xf32>
    %squeeze3A_226 = vector.extract %slice3A_225[0] : f32 from vector<1xf32>
    %add3A_227 = arith.addf %add3A_221, %squeeze3A_226 : f32
    %slice3A_228 = vector.extract_strided_slice %mul3A_17 {offsets = [10], sizes = [1], strides = [1]} : vector<16xf32> to vector<1xf32>
    %squeeze3A_229 = vector.extract %slice3A_228[0] : f32 from vector<1xf32>
    %add3A_230 = arith.addf %add3A_224, %squeeze3A_229 : f32
    %slice3A_231 = vector.extract_strided_slice %mul3A_53 {offsets = [10], sizes = [1], strides = [1]} : vector<16xf32> to vector<1xf32>
    %squeeze3A_232 = vector.extract %slice3A_231[0] : f32 from vector<1xf32>
    %add3A_233 = arith.addf %add3A_227, %squeeze3A_232 : f32
    %slice3A_234 = vector.extract_strided_slice %mul3A_17 {offsets = [11], sizes = [1], strides = [1]} : vector<16xf32> to vector<1xf32>
    %squeeze3A_235 = vector.extract %slice3A_234[0] : f32 from vector<1xf32>
    %add3A_236 = arith.addf %add3A_230, %squeeze3A_235 : f32
    %slice3A_237 = vector.extract_strided_slice %mul3A_53 {offsets = [11], sizes = [1], strides = [1]} : vector<16xf32> to vector<1xf32>
    %squeeze3A_238 = vector.extract %slice3A_237[0] : f32 from vector<1xf32>
    %add3A_239 = arith.addf %add3A_233, %squeeze3A_238 : f32
    %slice3A_240 = vector.extract_strided_slice %mul3A_17 {offsets = [12], sizes = [1], strides = [1]} : vector<16xf32> to vector<1xf32>
    %squeeze3A_241 = vector.extract %slice3A_240[0] : f32 from vector<1xf32>
    %add3A_242 = arith.addf %add3A_236, %squeeze3A_241 : f32
    %slice3A_243 = vector.extract_strided_slice %mul3A_53 {offsets = [12], sizes = [1], strides = [1]} : vector<16xf32> to vector<1xf32>
    %squeeze3A_244 = vector.extract %slice3A_243[0] : f32 from vector<1xf32>
    %add3A_245 = arith.addf %add3A_239, %squeeze3A_244 : f32
    %slice3A_246 = vector.extract_strided_slice %mul3A_17 {offsets = [13], sizes = [1], strides = [1]} : vector<16xf32> to vector<1xf32>
    %squeeze3A_247 = vector.extract %slice3A_246[0] : f32 from vector<1xf32>
    %add3A_248 = arith.addf %add3A_242, %squeeze3A_247 : f32
    %slice3A_249 = vector.extract_strided_slice %mul3A_53 {offsets = [13], sizes = [1], strides = [1]} : vector<16xf32> to vector<1xf32>
    %squeeze3A_250 = vector.extract %slice3A_249[0] : f32 from vector<1xf32>
    %add3A_251 = arith.addf %add3A_245, %squeeze3A_250 : f32
    %slice3A_252 = vector.extract_strided_slice %mul3A_17 {offsets = [14], sizes = [1], strides = [1]} : vector<16xf32> to vector<1xf32>
    %squeeze3A_253 = vector.extract %slice3A_252[0] : f32 from vector<1xf32>
    %add3A_254 = arith.addf %add3A_248, %squeeze3A_253 : f32
    %slice3A_255 = vector.extract_strided_slice %mul3A_53 {offsets = [14], sizes = [1], strides = [1]} : vector<16xf32> to vector<1xf32>
    %squeeze3A_256 = vector.extract %slice3A_255[0] : f32 from vector<1xf32>
    %add3A_257 = arith.addf %add3A_251, %squeeze3A_256 : f32
    %slice3A_258 = vector.extract_strided_slice %mul3A_17 {offsets = [15], sizes = [1], strides = [1]} : vector<16xf32> to vector<1xf32>
    %squeeze3A_259 = vector.extract %slice3A_258[0] : f32 from vector<1xf32>
    %add3A_260 = arith.addf %add3A_254, %squeeze3A_259 : f32
    %slice3A_261 = vector.extract_strided_slice %mul3A_53 {offsets = [15], sizes = [1], strides = [1]} : vector<16xf32> to vector<1xf32>
    %squeeze3A_262 = vector.extract %slice3A_261[0] : f32 from vector<1xf32>
    %add3A_263 = arith.addf %add3A_257, %squeeze3A_262 : f32
    %slice3A_264 = vector.extract_strided_slice %mul3A_26 {offsets = [0], sizes = [1], strides = [1]} : vector<16xf32> to vector<1xf32>
    %squeeze3A_265 = vector.extract %slice3A_264[0] : f32 from vector<1xf32>
    %add3A_266 = arith.addf %add3A_260, %squeeze3A_265 : f32
    %slice3A_267 = vector.extract_strided_slice %mul3A_62 {offsets = [0], sizes = [1], strides = [1]} : vector<16xf32> to vector<1xf32>
    %squeeze3A_268 = vector.extract %slice3A_267[0] : f32 from vector<1xf32>
    %add3A_269 = arith.addf %add3A_263, %squeeze3A_268 : f32
    %slice3A_270 = vector.extract_strided_slice %mul3A_26 {offsets = [1], sizes = [1], strides = [1]} : vector<16xf32> to vector<1xf32>
    %squeeze3A_271 = vector.extract %slice3A_270[0] : f32 from vector<1xf32>
    %add3A_272 = arith.addf %add3A_266, %squeeze3A_271 : f32
    %slice3A_273 = vector.extract_strided_slice %mul3A_62 {offsets = [1], sizes = [1], strides = [1]} : vector<16xf32> to vector<1xf32>
    %squeeze3A_274 = vector.extract %slice3A_273[0] : f32 from vector<1xf32>
    %add3A_275 = arith.addf %add3A_269, %squeeze3A_274 : f32
    %slice3A_276 = vector.extract_strided_slice %mul3A_26 {offsets = [2], sizes = [1], strides = [1]} : vector<16xf32> to vector<1xf32>
    %squeeze3A_277 = vector.extract %slice3A_276[0] : f32 from vector<1xf32>
    %add3A_278 = arith.addf %add3A_272, %squeeze3A_277 : f32
    %slice3A_279 = vector.extract_strided_slice %mul3A_62 {offsets = [2], sizes = [1], strides = [1]} : vector<16xf32> to vector<1xf32>
    %squeeze3A_280 = vector.extract %slice3A_279[0] : f32 from vector<1xf32>
    %add3A_281 = arith.addf %add3A_275, %squeeze3A_280 : f32
    %slice3A_282 = vector.extract_strided_slice %mul3A_26 {offsets = [3], sizes = [1], strides = [1]} : vector<16xf32> to vector<1xf32>
    %squeeze3A_283 = vector.extract %slice3A_282[0] : f32 from vector<1xf32>
    %add3A_284 = arith.addf %add3A_278, %squeeze3A_283 : f32
    %slice3A_285 = vector.extract_strided_slice %mul3A_62 {offsets = [3], sizes = [1], strides = [1]} : vector<16xf32> to vector<1xf32>
    %squeeze3A_286 = vector.extract %slice3A_285[0] : f32 from vector<1xf32>
    %add3A_287 = arith.addf %add3A_281, %squeeze3A_286 : f32
    %slice3A_288 = vector.extract_strided_slice %mul3A_26 {offsets = [4], sizes = [1], strides = [1]} : vector<16xf32> to vector<1xf32>
    %squeeze3A_289 = vector.extract %slice3A_288[0] : f32 from vector<1xf32>
    %add3A_290 = arith.addf %add3A_284, %squeeze3A_289 : f32
    %slice3A_291 = vector.extract_strided_slice %mul3A_62 {offsets = [4], sizes = [1], strides = [1]} : vector<16xf32> to vector<1xf32>
    %squeeze3A_292 = vector.extract %slice3A_291[0] : f32 from vector<1xf32>
    %add3A_293 = arith.addf %add3A_287, %squeeze3A_292 : f32
    %slice3A_294 = vector.extract_strided_slice %mul3A_26 {offsets = [5], sizes = [1], strides = [1]} : vector<16xf32> to vector<1xf32>
    %squeeze3A_295 = vector.extract %slice3A_294[0] : f32 from vector<1xf32>
    %add3A_296 = arith.addf %add3A_290, %squeeze3A_295 : f32
    %slice3A_297 = vector.extract_strided_slice %mul3A_62 {offsets = [5], sizes = [1], strides = [1]} : vector<16xf32> to vector<1xf32>
    %squeeze3A_298 = vector.extract %slice3A_297[0] : f32 from vector<1xf32>
    %add3A_299 = arith.addf %add3A_293, %squeeze3A_298 : f32
    %slice3A_300 = vector.extract_strided_slice %mul3A_26 {offsets = [6], sizes = [1], strides = [1]} : vector<16xf32> to vector<1xf32>
    %squeeze3A_301 = vector.extract %slice3A_300[0] : f32 from vector<1xf32>
    %add3A_302 = arith.addf %add3A_296, %squeeze3A_301 : f32
    %slice3A_303 = vector.extract_strided_slice %mul3A_62 {offsets = [6], sizes = [1], strides = [1]} : vector<16xf32> to vector<1xf32>
    %squeeze3A_304 = vector.extract %slice3A_303[0] : f32 from vector<1xf32>
    %add3A_305 = arith.addf %add3A_299, %squeeze3A_304 : f32
    %slice3A_306 = vector.extract_strided_slice %mul3A_26 {offsets = [7], sizes = [1], strides = [1]} : vector<16xf32> to vector<1xf32>
    %squeeze3A_307 = vector.extract %slice3A_306[0] : f32 from vector<1xf32>
    %add3A_308 = arith.addf %add3A_302, %squeeze3A_307 : f32
    %slice3A_309 = vector.extract_strided_slice %mul3A_62 {offsets = [7], sizes = [1], strides = [1]} : vector<16xf32> to vector<1xf32>
    %squeeze3A_310 = vector.extract %slice3A_309[0] : f32 from vector<1xf32>
    %add3A_311 = arith.addf %add3A_305, %squeeze3A_310 : f32
    %slice3A_312 = vector.extract_strided_slice %mul3A_26 {offsets = [8], sizes = [1], strides = [1]} : vector<16xf32> to vector<1xf32>
    %squeeze3A_313 = vector.extract %slice3A_312[0] : f32 from vector<1xf32>
    %add3A_314 = arith.addf %add3A_308, %squeeze3A_313 : f32
    %slice3A_315 = vector.extract_strided_slice %mul3A_62 {offsets = [8], sizes = [1], strides = [1]} : vector<16xf32> to vector<1xf32>
    %squeeze3A_316 = vector.extract %slice3A_315[0] : f32 from vector<1xf32>
    %add3A_317 = arith.addf %add3A_311, %squeeze3A_316 : f32
    %slice3A_318 = vector.extract_strided_slice %mul3A_26 {offsets = [9], sizes = [1], strides = [1]} : vector<16xf32> to vector<1xf32>
    %squeeze3A_319 = vector.extract %slice3A_318[0] : f32 from vector<1xf32>
    %add3A_320 = arith.addf %add3A_314, %squeeze3A_319 : f32
    %slice3A_321 = vector.extract_strided_slice %mul3A_62 {offsets = [9], sizes = [1], strides = [1]} : vector<16xf32> to vector<1xf32>
    %squeeze3A_322 = vector.extract %slice3A_321[0] : f32 from vector<1xf32>
    %add3A_323 = arith.addf %add3A_317, %squeeze3A_322 : f32
    %slice3A_324 = vector.extract_strided_slice %mul3A_26 {offsets = [10], sizes = [1], strides = [1]} : vector<16xf32> to vector<1xf32>
    %squeeze3A_325 = vector.extract %slice3A_324[0] : f32 from vector<1xf32>
    %add3A_326 = arith.addf %add3A_320, %squeeze3A_325 : f32
    %slice3A_327 = vector.extract_strided_slice %mul3A_62 {offsets = [10], sizes = [1], strides = [1]} : vector<16xf32> to vector<1xf32>
    %squeeze3A_328 = vector.extract %slice3A_327[0] : f32 from vector<1xf32>
    %add3A_329 = arith.addf %add3A_323, %squeeze3A_328 : f32
    %slice3A_330 = vector.extract_strided_slice %mul3A_26 {offsets = [11], sizes = [1], strides = [1]} : vector<16xf32> to vector<1xf32>
    %squeeze3A_331 = vector.extract %slice3A_330[0] : f32 from vector<1xf32>
    %add3A_332 = arith.addf %add3A_326, %squeeze3A_331 : f32
    %slice3A_333 = vector.extract_strided_slice %mul3A_62 {offsets = [11], sizes = [1], strides = [1]} : vector<16xf32> to vector<1xf32>
    %squeeze3A_334 = vector.extract %slice3A_333[0] : f32 from vector<1xf32>
    %add3A_335 = arith.addf %add3A_329, %squeeze3A_334 : f32
    %slice3A_336 = vector.extract_strided_slice %mul3A_26 {offsets = [12], sizes = [1], strides = [1]} : vector<16xf32> to vector<1xf32>
    %squeeze3A_337 = vector.extract %slice3A_336[0] : f32 from vector<1xf32>
    %add3A_338 = arith.addf %add3A_332, %squeeze3A_337 : f32
    %slice3A_339 = vector.extract_strided_slice %mul3A_62 {offsets = [12], sizes = [1], strides = [1]} : vector<16xf32> to vector<1xf32>
    %squeeze3A_340 = vector.extract %slice3A_339[0] : f32 from vector<1xf32>
    %add3A_341 = arith.addf %add3A_335, %squeeze3A_340 : f32
    %slice3A_342 = vector.extract_strided_slice %mul3A_26 {offsets = [13], sizes = [1], strides = [1]} : vector<16xf32> to vector<1xf32>
    %squeeze3A_343 = vector.extract %slice3A_342[0] : f32 from vector<1xf32>
    %add3A_344 = arith.addf %add3A_338, %squeeze3A_343 : f32
    %slice3A_345 = vector.extract_strided_slice %mul3A_62 {offsets = [13], sizes = [1], strides = [1]} : vector<16xf32> to vector<1xf32>
    %squeeze3A_346 = vector.extract %slice3A_345[0] : f32 from vector<1xf32>
    %add3A_347 = arith.addf %add3A_341, %squeeze3A_346 : f32
    %slice3A_348 = vector.extract_strided_slice %mul3A_26 {offsets = [14], sizes = [1], strides = [1]} : vector<16xf32> to vector<1xf32>
    %squeeze3A_349 = vector.extract %slice3A_348[0] : f32 from vector<1xf32>
    %add3A_350 = arith.addf %add3A_344, %squeeze3A_349 : f32
    %slice3A_351 = vector.extract_strided_slice %mul3A_62 {offsets = [14], sizes = [1], strides = [1]} : vector<16xf32> to vector<1xf32>
    %squeeze3A_352 = vector.extract %slice3A_351[0] : f32 from vector<1xf32>
    %add3A_353 = arith.addf %add3A_347, %squeeze3A_352 : f32
    %slice3A_354 = vector.extract_strided_slice %mul3A_26 {offsets = [15], sizes = [1], strides = [1]} : vector<16xf32> to vector<1xf32>
    %squeeze3A_355 = vector.extract %slice3A_354[0] : f32 from vector<1xf32>
    %add3A_356 = arith.addf %add3A_350, %squeeze3A_355 : f32
    %slice3A_357 = vector.extract_strided_slice %mul3A_62 {offsets = [15], sizes = [1], strides = [1]} : vector<16xf32> to vector<1xf32>
    %squeeze3A_358 = vector.extract %slice3A_357[0] : f32 from vector<1xf32>
    %add3A_359 = arith.addf %add3A_353, %squeeze3A_358 : f32
    %slice3A_360 = vector.extract_strided_slice %mul3A_35 {offsets = [0], sizes = [1], strides = [1]} : vector<16xf32> to vector<1xf32>
    %squeeze3A_361 = vector.extract %slice3A_360[0] : f32 from vector<1xf32>
    %add3A_362 = arith.addf %add3A_356, %squeeze3A_361 : f32
    %slice3A_363 = vector.extract_strided_slice %mul3A_71 {offsets = [0], sizes = [1], strides = [1]} : vector<16xf32> to vector<1xf32>
    %squeeze3A_364 = vector.extract %slice3A_363[0] : f32 from vector<1xf32>
    %add3A_365 = arith.addf %add3A_359, %squeeze3A_364 : f32
    %slice3A_366 = vector.extract_strided_slice %mul3A_35 {offsets = [1], sizes = [1], strides = [1]} : vector<16xf32> to vector<1xf32>
    %squeeze3A_367 = vector.extract %slice3A_366[0] : f32 from vector<1xf32>
    %add3A_368 = arith.addf %add3A_362, %squeeze3A_367 : f32
    %slice3A_369 = vector.extract_strided_slice %mul3A_71 {offsets = [1], sizes = [1], strides = [1]} : vector<16xf32> to vector<1xf32>
    %squeeze3A_370 = vector.extract %slice3A_369[0] : f32 from vector<1xf32>
    %add3A_371 = arith.addf %add3A_365, %squeeze3A_370 : f32
    %get3A_372 = arith.constant 3 : i32
    %get3A_373 = arith.index_cast %get3A_372 : i32 to index
    %get3A_374 = arith.constant 0 : index
    %get3A_375 = tpu.vector_load %arg5[%get3A_373, %get3A_374] {strides = array<i32>} : memref<4x64xf32, #tpu.memory_space<vmem>>, vector<16xf32>,
    %slice3A_376 = vector.extract_strided_slice %get3A_375 {offsets = [0], sizes = [1], strides = [1]} : vector<16xf32> to vector<1xf32>
    %squeeze3A_377 = vector.extract %slice3A_376[0] : f32 from vector<1xf32>
    %slice3A_378 = vector.extract_strided_slice %get3A_375 {offsets = [1], sizes = [1], strides = [1]} : vector<16xf32> to vector<1xf32>
    %squeeze3A_379 = vector.extract %slice3A_378[0] : f32 from vector<1xf32>
    %add3A_380 = arith.addf %add3A_368, %squeeze3A_377 : f32
    %add3A_381 = arith.addf %add3A_371, %squeeze3A_379 : f32
    %max3A = arith.maximumf %squeeze3A_377, %squeeze3A_379 : f32
    %max3A_382 = arith.maximumf %add3A_380, %add3A_381 : f32
    %eq3A = arith.constant 0 : i32
    %eq3A_383 = vector.broadcast %eq3A : i32 to vector<16xi32>
    %eq3A_384 = arith.cmpi eq, %iota3A, %eq3A_383 : vector<16xi32>
    %sub3A = arith.subf %squeeze3A_377, %max3A : f32
    %broadcast_in_dim3A = vector.broadcast %sub3A : f32 to vector<16xf32>
    %eq3A_385 = arith.constant 1 : i32
    %eq3A_386 = vector.broadcast %eq3A_385 : i32 to vector<16xi32>
    %eq3A_387 = arith.cmpi eq, %iota3A, %eq3A_386 : vector<16xi32>
    %sub3A_388 = arith.subf %squeeze3A_379, %max3A : f32
    %broadcast_in_dim3A_389 = vector.broadcast %sub3A_388 : f32 to vector<16xf32>
    %eq3A_390 = arith.constant 2 : i32
    %eq3A_391 = vector.broadcast %eq3A_390 : i32 to vector<16xi32>
    %eq3A_392 = arith.cmpi eq, %iota3A, %eq3A_391 : vector<16xi32>
    %sub3A_393 = arith.subf %add3A_380, %max3A_382 : f32
    %broadcast_in_dim3A_394 = vector.broadcast %sub3A_393 : f32 to vector<16xf32>
    %sub3A_395 = arith.subf %add3A_381, %max3A_382 : f32
    %broadcast_in_dim3A_396 = vector.broadcast %sub3A_395 : f32 to vector<16xf32>
    %select_n3A = arith.select %eq3A_392, %broadcast_in_dim3A_394, %broadcast_in_dim3A_396 : vector<16xi1>, vector<16xf32>
    %select_n3A_397 = arith.select %eq3A_387, %broadcast_in_dim3A_389, %select_n3A : vector<16xi1>, vector<16xf32>
    %select_n3A_398 = arith.select %eq3A_384, %broadcast_in_dim3A, %select_n3A_397 : vector<16xi1>, vector<16xf32>
    %exp3A = math.exp %select_n3A_398 : vector<16xf32>
    %lt3A = arith.constant 2 : i32
    %lt3A_399 = vector.broadcast %lt3A : i32 to vector<16xi32>
    %lt3A_400 = arith.cmpi slt, %iota3A, %lt3A_399 : vector<16xi32>
    %slice3A_401 = vector.extract_strided_slice %exp3A {offsets = [0], sizes = [1], strides = [1]} : vector<16xf32> to vector<1xf32>
    %squeeze3A_402 = vector.extract %slice3A_401[0] : f32 from vector<1xf32>
    %slice3A_403 = vector.extract_strided_slice %exp3A {offsets = [1], sizes = [1], strides = [1]} : vector<16xf32> to vector<1xf32>
    %squeeze3A_404 = vector.extract %slice3A_403[0] : f32 from vector<1xf32>
    %add3A_405 = arith.addf %squeeze3A_402, %squeeze3A_404 : f32
    %broadcast_in_dim3A_406 = vector.broadcast %add3A_405 : f32 to vector<16xf32>
    %slice3A_407 = vector.extract_strided_slice %exp3A {offsets = [2], sizes = [1], strides = [1]} : vector<16xf32> to vector<1xf32>
    %squeeze3A_408 = vector.extract %slice3A_407[0] : f32 from vector<1xf32>
    %slice3A_409 = vector.extract_strided_slice %exp3A {offsets = [3], sizes = [1], strides = [1]} : vector<16xf32> to vector<1xf32>
    %squeeze3A_410 = vector.extract %slice3A_409[0] : f32 from vector<1xf32>
    %add3A_411 = arith.addf %squeeze3A_408, %squeeze3A_410 : f32
    %broadcast_in_dim3A_412 = vector.broadcast %add3A_411 : f32 to vector<16xf32>
    %select_n3A_413 = arith.select %lt3A_400, %broadcast_in_dim3A_406, %broadcast_in_dim3A_412 : vector<16xi1>, vector<16xf32>
    %div3A = arith.divf %exp3A, %select_n3A_413 : vector<16xf32>
    %slice3A_414 = vector.extract_strided_slice %div3A {offsets = [0], sizes = [1], strides = [1]} : vector<16xf32> to vector<1xf32>
    %squeeze3A_415 = vector.extract %slice3A_414[0] : f32 from vector<1xf32>
    %slice3A_416 = vector.extract_strided_slice %div3A {offsets = [1], sizes = [1], strides = [1]} : vector<16xf32> to vector<1xf32>
    %squeeze3A_417 = vector.extract %slice3A_416[0] : f32 from vector<1xf32>
    %broadcast_in_dim3A_418 = vector.broadcast %squeeze3A_415 : f32 to vector<16xf32>
    %broadcast_in_dim3A_419 = vector.broadcast %squeeze3A_417 : f32 to vector<16xf32>
    %slice3A_420 = vector.extract_strided_slice %div3A {offsets = [2], sizes = [1], strides = [1]} : vector<16xf32> to vector<1xf32>
    %squeeze3A_421 = vector.extract %slice3A_420[0] : f32 from vector<1xf32>
    %sub3A_422 = arith.subf %squeeze3A_421, %squeeze3A_415 : f32
    %broadcast_in_dim3A_423 = vector.broadcast %sub3A_422 : f32 to vector<16xf32>
    %slice3A_424 = vector.extract_strided_slice %div3A {offsets = [3], sizes = [1], strides = [1]} : vector<16xf32> to vector<1xf32>
    %squeeze3A_425 = vector.extract %slice3A_424[0] : f32 from vector<1xf32>
    %sub3A_426 = arith.subf %squeeze3A_425, %squeeze3A_417 : f32
    %broadcast_in_dim3A_427 = vector.broadcast %sub3A_426 : f32 to vector<16xf32>
    %mul3A_428 = arith.constant 25 : i32
    %mul3A_429 = arith.muli %add3A, %mul3A_428 : i32
    %add3A_430 = arith.constant 0 : i32
    %add3A_431 = arith.addi %mul3A_429, %add3A_430 : i32
    %shift_right_logical3A = arith.constant 5 : i32
    %shift_right_logical3A_432 = arith.shrui %add3A_431, %shift_right_logical3A : i32
    %and3A = arith.constant 31 : i32
    %and3A_433 = arith.andi %add3A_431, %and3A : i32
    %mul3A_434 = arith.constant 4 : i32
    %mul3A_435 = arith.muli %mul3A_434, %and3A_433 : i32
    %dma_start3A = arith.constant 0 : i32
    %dma_start3A_436 = arith.constant 0 : i32
    %dma_start3A_437 = arith.constant 0 : i32
    %dma_start3A_438 = arith.constant 0 : i32
    %dma_start3A_439 = arith.constant 0 : i32
    %dma_start3A_440 = tpu.memref_slice %arg6[%dma_start3A, %dma_start3A_437, %dma_start3A_438, %dma_start3A_439] : memref<4x4x8x128xi32, #tpu.memory_space<vmem>> -> memref<1x4x8x128xi32, #tpu.memory_space<vmem>>
    %dma_start3A_441 = tpu.memref_squeeze %dma_start3A_440 : memref<1x4x8x128xi32, #tpu.memory_space<vmem>> -> memref<4x8x128xi32, #tpu.memory_space<vmem>>
    %dma_start3A_442 = arith.constant 0 : i32
    %dma_start3A_443 = arith.constant 0 : i32
    %dma_start3A_444 = tpu.memref_slice %arg3[%shift_right_logical3A_432, %mul3A_435, %dma_start3A_442, %dma_start3A_443] : memref<25x128x8x128xi32, #tpu.memory_space<hbm>> -> memref<1x4x8x128xi32, #tpu.memory_space<hbm>>
    %dma_start3A_445 = tpu.memref_squeeze %dma_start3A_444 : memref<1x4x8x128xi32, #tpu.memory_space<hbm>> -> memref<4x8x128xi32, #tpu.memory_space<hbm>>
    %dma_start3A_446 = tpu.memref_slice %arg8[%dma_start3A_436] : memref<4x!tpu.dma_semaphore, #tpu.memory_space<semaphore_mem>> -> memref<1x!tpu.dma_semaphore, #tpu.memory_space<semaphore_mem>>
    %dma_start3A_447 = tpu.memref_squeeze %dma_start3A_446 : memref<1x!tpu.dma_semaphore, #tpu.memory_space<semaphore_mem>> -> memref<!tpu.dma_semaphore, #tpu.memory_space<semaphore_mem>>
    %dma_start3A_448 = arith.constant 0 : i32
    %dma_start3A_449 = arith.constant 0 : i32
    %dma_start3A_450 = arith.constant 0 : i32
    %dma_start3A_451 = tpu.memref_slice %arg6[%dma_start3A, %dma_start3A_448, %dma_start3A_449, %dma_start3A_450] : memref<4x4x8x128xi32, #tpu.memory_space<vmem>> -> memref<1x4x8x128xi32, #tpu.memory_space<vmem>>
    %dma_start3A_452 = tpu.memref_squeeze %dma_start3A_451 : memref<1x4x8x128xi32, #tpu.memory_space<vmem>> -> memref<4x8x128xi32, #tpu.memory_space<vmem>>
    %dma_start3A_453 = arith.constant 0 : i32
    %dma_start3A_454 = arith.constant 0 : i32
    %dma_start3A_455 = tpu.memref_slice %arg3[%shift_right_logical3A_432, %mul3A_435, %dma_start3A_453, %dma_start3A_454] : memref<25x128x8x128xi32, #tpu.memory_space<hbm>> -> memref<1x4x8x128xi32, #tpu.memory_space<hbm>>
    %dma_start3A_456 = tpu.memref_squeeze %dma_start3A_455 : memref<1x4x8x128xi32, #tpu.memory_space<hbm>> -> memref<4x8x128xi32, #tpu.memory_space<hbm>>
    tpu.enqueue_dma source(%dma_start3A_456 : memref<4x8x128xi32, #tpu.memory_space<hbm>>) target(%dma_start3A_452 : memref<4x8x128xi32, #tpu.memory_space<vmem>>) target_semaphore(%dma_start3A_447 : memref<!tpu.dma_semaphore, #tpu.memory_space<semaphore_mem>>)
    %mul3A_457 = arith.constant 25 : i32
    %mul3A_458 = arith.muli %add3A, %mul3A_457 : i32
    %add3A_459 = arith.constant 1 : i32
    %add3A_460 = arith.addi %mul3A_458, %add3A_459 : i32
    %shift_right_logical3A_461 = arith.constant 5 : i32
    %shift_right_logical3A_462 = arith.shrui %add3A_460, %shift_right_logical3A_461 : i32
    %and3A_463 = arith.constant 31 : i32
    %and3A_464 = arith.andi %add3A_460, %and3A_463 : i32
    %mul3A_465 = arith.constant 4 : i32
    %mul3A_466 = arith.muli %mul3A_465, %and3A_464 : i32
    %dma_start3A_467 = arith.constant 1 : i32
    %dma_start3A_468 = arith.constant 1 : i32
    %dma_start3A_469 = arith.constant 0 : i32
    %dma_start3A_470 = arith.constant 0 : i32
    %dma_start3A_471 = arith.constant 0 : i32
    %dma_start3A_472 = tpu.memref_slice %arg6[%dma_start3A_467, %dma_start3A_469, %dma_start3A_470, %dma_start3A_471] : memref<4x4x8x128xi32, #tpu.memory_space<vmem>> -> memref<1x4x8x128xi32, #tpu.memory_space<vmem>>
    %dma_start3A_473 = tpu.memref_squeeze %dma_start3A_472 : memref<1x4x8x128xi32, #tpu.memory_space<vmem>> -> memref<4x8x128xi32, #tpu.memory_space<vmem>>
    %dma_start3A_474 = arith.constant 0 : i32
    %dma_start3A_475 = arith.constant 0 : i32
    %dma_start3A_476 = tpu.memref_slice %arg3[%shift_right_logical3A_462, %mul3A_466, %dma_start3A_474, %dma_start3A_475] : memref<25x128x8x128xi32, #tpu.memory_space<hbm>> -> memref<1x4x8x128xi32, #tpu.memory_space<hbm>>
    %dma_start3A_477 = tpu.memref_squeeze %dma_start3A_476 : memref<1x4x8x128xi32, #tpu.memory_space<hbm>> -> memref<4x8x128xi32, #tpu.memory_space<hbm>>
    %dma_start3A_478 = tpu.memref_slice %arg8[%dma_start3A_468] : memref<4x!tpu.dma_semaphore, #tpu.memory_space<semaphore_mem>> -> memref<1x!tpu.dma_semaphore, #tpu.memory_space<semaphore_mem>>
    %dma_start3A_479 = tpu.memref_squeeze %dma_start3A_478 : memref<1x!tpu.dma_semaphore, #tpu.memory_space<semaphore_mem>> -> memref<!tpu.dma_semaphore, #tpu.memory_space<semaphore_mem>>
    %dma_start3A_480 = arith.constant 0 : i32
    %dma_start3A_481 = arith.constant 0 : i32
    %dma_start3A_482 = arith.constant 0 : i32
    %dma_start3A_483 = tpu.memref_slice %arg6[%dma_start3A_467, %dma_start3A_480, %dma_start3A_481, %dma_start3A_482] : memref<4x4x8x128xi32, #tpu.memory_space<vmem>> -> memref<1x4x8x128xi32, #tpu.memory_space<vmem>>
    %dma_start3A_484 = tpu.memref_squeeze %dma_start3A_483 : memref<1x4x8x128xi32, #tpu.memory_space<vmem>> -> memref<4x8x128xi32, #tpu.memory_space<vmem>>
    %dma_start3A_485 = arith.constant 0 : i32
    %dma_start3A_486 = arith.constant 0 : i32
    %dma_start3A_487 = tpu.memref_slice %arg3[%shift_right_logical3A_462, %mul3A_466, %dma_start3A_485, %dma_start3A_486] : memref<25x128x8x128xi32, #tpu.memory_space<hbm>> -> memref<1x4x8x128xi32, #tpu.memory_space<hbm>>
    %dma_start3A_488 = tpu.memref_squeeze %dma_start3A_487 : memref<1x4x8x128xi32, #tpu.memory_space<hbm>> -> memref<4x8x128xi32, #tpu.memory_space<hbm>>
    tpu.enqueue_dma source(%dma_start3A_488 : memref<4x8x128xi32, #tpu.memory_space<hbm>>) target(%dma_start3A_484 : memref<4x8x128xi32, #tpu.memory_space<vmem>>) target_semaphore(%dma_start3A_479 : memref<!tpu.dma_semaphore, #tpu.memory_space<semaphore_mem>>)
    %mul3A_489 = arith.constant 25 : i32
    %mul3A_490 = arith.muli %add3A, %mul3A_489 : i32
    %add3A_491 = arith.constant 2 : i32
    %add3A_492 = arith.addi %mul3A_490, %add3A_491 : i32
    %shift_right_logical3A_493 = arith.constant 5 : i32
    %shift_right_logical3A_494 = arith.shrui %add3A_492, %shift_right_logical3A_493 : i32
    %and3A_495 = arith.constant 31 : i32
    %and3A_496 = arith.andi %add3A_492, %and3A_495 : i32
    %mul3A_497 = arith.constant 4 : i32
    %mul3A_498 = arith.muli %mul3A_497, %and3A_496 : i32
    %dma_start3A_499 = arith.constant 2 : i32
    %dma_start3A_500 = arith.constant 2 : i32
    %dma_start3A_501 = arith.constant 0 : i32
    %dma_start3A_502 = arith.constant 0 : i32
    %dma_start3A_503 = arith.constant 0 : i32
    %dma_start3A_504 = tpu.memref_slice %arg6[%dma_start3A_499, %dma_start3A_501, %dma_start3A_502, %dma_start3A_503] : memref<4x4x8x128xi32, #tpu.memory_space<vmem>> -> memref<1x4x8x128xi32, #tpu.memory_space<vmem>>
    %dma_start3A_505 = tpu.memref_squeeze %dma_start3A_504 : memref<1x4x8x128xi32, #tpu.memory_space<vmem>> -> memref<4x8x128xi32, #tpu.memory_space<vmem>>
    %dma_start3A_506 = arith.constant 0 : i32
    %dma_start3A_507 = arith.constant 0 : i32
    %dma_start3A_508 = tpu.memref_slice %arg3[%shift_right_logical3A_494, %mul3A_498, %dma_start3A_506, %dma_start3A_507] : memref<25x128x8x128xi32, #tpu.memory_space<hbm>> -> memref<1x4x8x128xi32, #tpu.memory_space<hbm>>
    %dma_start3A_509 = tpu.memref_squeeze %dma_start3A_508 : memref<1x4x8x128xi32, #tpu.memory_space<hbm>> -> memref<4x8x128xi32, #tpu.memory_space<hbm>>
    %dma_start3A_510 = tpu.memref_slice %arg8[%dma_start3A_500] : memref<4x!tpu.dma_semaphore, #tpu.memory_space<semaphore_mem>> -> memref<1x!tpu.dma_semaphore, #tpu.memory_space<semaphore_mem>>
    %dma_start3A_511 = tpu.memref_squeeze %dma_start3A_510 : memref<1x!tpu.dma_semaphore, #tpu.memory_space<semaphore_mem>> -> memref<!tpu.dma_semaphore, #tpu.memory_space<semaphore_mem>>
    %dma_start3A_512 = arith.constant 0 : i32
    %dma_start3A_513 = arith.constant 0 : i32
    %dma_start3A_514 = arith.constant 0 : i32
    %dma_start3A_515 = tpu.memref_slice %arg6[%dma_start3A_499, %dma_start3A_512, %dma_start3A_513, %dma_start3A_514] : memref<4x4x8x128xi32, #tpu.memory_space<vmem>> -> memref<1x4x8x128xi32, #tpu.memory_space<vmem>>
    %dma_start3A_516 = tpu.memref_squeeze %dma_start3A_515 : memref<1x4x8x128xi32, #tpu.memory_space<vmem>> -> memref<4x8x128xi32, #tpu.memory_space<vmem>>
    %dma_start3A_517 = arith.constant 0 : i32
    %dma_start3A_518 = arith.constant 0 : i32
    %dma_start3A_519 = tpu.memref_slice %arg3[%shift_right_logical3A_494, %mul3A_498, %dma_start3A_517, %dma_start3A_518] : memref<25x128x8x128xi32, #tpu.memory_space<hbm>> -> memref<1x4x8x128xi32, #tpu.memory_space<hbm>>
    %dma_start3A_520 = tpu.memref_squeeze %dma_start3A_519 : memref<1x4x8x128xi32, #tpu.memory_space<hbm>> -> memref<4x8x128xi32, #tpu.memory_space<hbm>>
    tpu.enqueue_dma source(%dma_start3A_520 : memref<4x8x128xi32, #tpu.memory_space<hbm>>) target(%dma_start3A_516 : memref<4x8x128xi32, #tpu.memory_space<vmem>>) target_semaphore(%dma_start3A_511 : memref<!tpu.dma_semaphore, #tpu.memory_space<semaphore_mem>>)
    %scan3A = arith.constant 0 : i32
    %scan3A_521 = arith.constant 0 : i32
    %scan3A_522 = arith.constant 25 : i32
    %scan3A_523 = arith.addi %scan3A_521, %scan3A_522 : i32
    %scan3A_524 = arith.constant 1 : i32
    scf.for %scan3A_661 = %scan3A_521 to %scan3A_523 step %scan3A_524  : i32 {
      %and3A_662 = arith.constant 3 : i32
      %and3A_663 = arith.andi %scan3A_661, %and3A_662 : i32
      %mul3A_664 = arith.constant 25 : i32
      %mul3A_665 = arith.muli %add3A, %mul3A_664 : i32
      %add3A_666 = arith.addi %mul3A_665, %scan3A_661 : i32
      %shift_right_logical3A_667 = arith.constant 5 : i32
      %shift_right_logical3A_668 = arith.shrui %add3A_666, %shift_right_logical3A_667 : i32
      %and3A_669 = arith.constant 31 : i32
      %and3A_670 = arith.andi %add3A_666, %and3A_669 : i32
      %mul3A_671 = arith.constant 4 : i32
      %mul3A_672 = arith.muli %mul3A_671, %and3A_670 : i32
      %dma_wait3A_673 = arith.constant 0 : i32
      %dma_wait3A_674 = arith.constant 0 : i32
      %dma_wait3A_675 = arith.constant 0 : i32
      %dma_wait3A_676 = tpu.memref_slice %arg6[%and3A_663, %dma_wait3A_673, %dma_wait3A_674, %dma_wait3A_675] : memref<4x4x8x128xi32, #tpu.memory_space<vmem>> -> memref<1x4x8x128xi32, #tpu.memory_space<vmem>>
      %dma_wait3A_677 = tpu.memref_squeeze %dma_wait3A_676 : memref<1x4x8x128xi32, #tpu.memory_space<vmem>> -> memref<4x8x128xi32, #tpu.memory_space<vmem>>
      %dma_wait3A_678 = arith.constant 0 : i32
      %dma_wait3A_679 = arith.constant 0 : i32
      %dma_wait3A_680 = tpu.memref_slice %arg3[%shift_right_logical3A_668, %mul3A_672, %dma_wait3A_678, %dma_wait3A_679] : memref<25x128x8x128xi32, #tpu.memory_space<hbm>> -> memref<1x4x8x128xi32, #tpu.memory_space<hbm>>
      %dma_wait3A_681 = tpu.memref_squeeze %dma_wait3A_680 : memref<1x4x8x128xi32, #tpu.memory_space<hbm>> -> memref<4x8x128xi32, #tpu.memory_space<hbm>>
      %dma_wait3A_682 = tpu.memref_slice %arg8[%and3A_663] : memref<4x!tpu.dma_semaphore, #tpu.memory_space<semaphore_mem>> -> memref<1x!tpu.dma_semaphore, #tpu.memory_space<semaphore_mem>>
      %dma_wait3A_683 = tpu.memref_squeeze %dma_wait3A_682 : memref<1x!tpu.dma_semaphore, #tpu.memory_space<semaphore_mem>> -> memref<!tpu.dma_semaphore, #tpu.memory_space<semaphore_mem>>
      %dma_wait3A_684 = arith.constant 0 : i32
      %dma_wait3A_685 = arith.constant 0 : i32
      %dma_wait3A_686 = arith.constant 0 : i32
      %dma_wait3A_687 = tpu.memref_slice %arg6[%and3A_663, %dma_wait3A_684, %dma_wait3A_685, %dma_wait3A_686] : memref<4x4x8x128xi32, #tpu.memory_space<vmem>> -> memref<1x4x8x128xi32, #tpu.memory_space<vmem>>
      %dma_wait3A_688 = tpu.memref_squeeze %dma_wait3A_687 : memref<1x4x8x128xi32, #tpu.memory_space<vmem>> -> memref<4x8x128xi32, #tpu.memory_space<vmem>>
      %dma_wait3A_689 = arith.constant 0 : i32
      %dma_wait3A_690 = arith.constant 0 : i32
      %dma_wait3A_691 = tpu.memref_slice %arg3[%shift_right_logical3A_668, %mul3A_672, %dma_wait3A_689, %dma_wait3A_690] : memref<25x128x8x128xi32, #tpu.memory_space<hbm>> -> memref<1x4x8x128xi32, #tpu.memory_space<hbm>>
      %dma_wait3A_692 = tpu.memref_squeeze %dma_wait3A_691 : memref<1x4x8x128xi32, #tpu.memory_space<hbm>> -> memref<4x8x128xi32, #tpu.memory_space<hbm>>
      tpu.wait_dma2 semaphore(%dma_wait3A_683 : memref<!tpu.dma_semaphore, #tpu.memory_space<semaphore_mem>>) src(%dma_wait3A_692 : memref<4x8x128xi32, #tpu.memory_space<hbm>>) dst(%dma_wait3A_688 : memref<4x8x128xi32, #tpu.memory_space<vmem>>)
      %add3A_693 = arith.constant 3 : i32
      %add3A_694 = arith.addi %scan3A_661, %add3A_693 : i32
      %lt3A_695 = arith.constant 25 : i32
      %lt3A_696 = arith.cmpi slt, %add3A_694, %lt3A_695 : i32
      %convert_element_type3A = arith.extui %lt3A_696 : i1 to i32
      %cond3A = arith.constant 0 : i32
      %cond3A_697 = arith.cmpi ne, %convert_element_type3A, %cond3A : i32
      scf.if %cond3A_697 {
        %add3A_739 = arith.constant 3 : i32
        %add3A_740 = arith.addi %scan3A_661, %add3A_739 : i32
        %add3A_741 = arith.constant 3 : i32
        %add3A_742 = arith.addi %scan3A_661, %add3A_741 : i32
        %and3A_743 = arith.constant 3 : i32
        %and3A_744 = arith.andi %add3A_742, %and3A_743 : i32
        %mul3A_745 = arith.constant 25 : i32
        %mul3A_746 = arith.muli %add3A, %mul3A_745 : i32
        %add3A_747 = arith.addi %mul3A_746, %add3A_740 : i32
        %shift_right_logical3A_748 = arith.constant 5 : i32
        %shift_right_logical3A_749 = arith.shrui %add3A_747, %shift_right_logical3A_748 : i32
        %and3A_750 = arith.constant 31 : i32
        %and3A_751 = arith.andi %add3A_747, %and3A_750 : i32
        %mul3A_752 = arith.constant 4 : i32
        %mul3A_753 = arith.muli %mul3A_752, %and3A_751 : i32
        %dma_start3A_754 = arith.constant 0 : i32
        %dma_start3A_755 = arith.constant 0 : i32
        %dma_start3A_756 = arith.constant 0 : i32
        %dma_start3A_757 = tpu.memref_slice %arg6[%and3A_744, %dma_start3A_754, %dma_start3A_755, %dma_start3A_756] : memref<4x4x8x128xi32, #tpu.memory_space<vmem>> -> memref<1x4x8x128xi32, #tpu.memory_space<vmem>>
        %dma_start3A_758 = tpu.memref_squeeze %dma_start3A_757 : memref<1x4x8x128xi32, #tpu.memory_space<vmem>> -> memref<4x8x128xi32, #tpu.memory_space<vmem>>
        %dma_start3A_759 = arith.constant 0 : i32
        %dma_start3A_760 = arith.constant 0 : i32
        %dma_start3A_761 = tpu.memref_slice %arg3[%shift_right_logical3A_749, %mul3A_753, %dma_start3A_759, %dma_start3A_760] : memref<25x128x8x128xi32, #tpu.memory_space<hbm>> -> memref<1x4x8x128xi32, #tpu.memory_space<hbm>>
        %dma_start3A_762 = tpu.memref_squeeze %dma_start3A_761 : memref<1x4x8x128xi32, #tpu.memory_space<hbm>> -> memref<4x8x128xi32, #tpu.memory_space<hbm>>
        %dma_start3A_763 = tpu.memref_slice %arg8[%and3A_744] : memref<4x!tpu.dma_semaphore, #tpu.memory_space<semaphore_mem>> -> memref<1x!tpu.dma_semaphore, #tpu.memory_space<semaphore_mem>>
        %dma_start3A_764 = tpu.memref_squeeze %dma_start3A_763 : memref<1x!tpu.dma_semaphore, #tpu.memory_space<semaphore_mem>> -> memref<!tpu.dma_semaphore, #tpu.memory_space<semaphore_mem>>
        %dma_start3A_765 = arith.constant 0 : i32
        %dma_start3A_766 = arith.constant 0 : i32
        %dma_start3A_767 = arith.constant 0 : i32
        %dma_start3A_768 = tpu.memref_slice %arg6[%and3A_744, %dma_start3A_765, %dma_start3A_766, %dma_start3A_767] : memref<4x4x8x128xi32, #tpu.memory_space<vmem>> -> memref<1x4x8x128xi32, #tpu.memory_space<vmem>>
        %dma_start3A_769 = tpu.memref_squeeze %dma_start3A_768 : memref<1x4x8x128xi32, #tpu.memory_space<vmem>> -> memref<4x8x128xi32, #tpu.memory_space<vmem>>
        %dma_start3A_770 = arith.constant 0 : i32
        %dma_start3A_771 = arith.constant 0 : i32
        %dma_start3A_772 = tpu.memref_slice %arg3[%shift_right_logical3A_749, %mul3A_753, %dma_start3A_770, %dma_start3A_771] : memref<25x128x8x128xi32, #tpu.memory_space<hbm>> -> memref<1x4x8x128xi32, #tpu.memory_space<hbm>>
        %dma_start3A_773 = tpu.memref_squeeze %dma_start3A_772 : memref<1x4x8x128xi32, #tpu.memory_space<hbm>> -> memref<4x8x128xi32, #tpu.memory_space<hbm>>
        tpu.enqueue_dma source(%dma_start3A_773 : memref<4x8x128xi32, #tpu.memory_space<hbm>>) target(%dma_start3A_769 : memref<4x8x128xi32, #tpu.memory_space<vmem>>) target_semaphore(%dma_start3A_764 : memref<!tpu.dma_semaphore, #tpu.memory_space<semaphore_mem>>)
      } else {
      }
      %ge3A = arith.constant 4 : i32
      %ge3A_698 = arith.cmpi sge, %scan3A_661, %ge3A : i32
      %convert_element_type3A_699 = arith.extui %ge3A_698 : i1 to i32
      %cond3A_700 = arith.constant 0 : i32
      %cond3A_701 = arith.cmpi ne, %convert_element_type3A_699, %cond3A_700 : i32
      scf.if %cond3A_701 {
        %sub3A_739 = arith.constant 4 : i32
        %sub3A_740 = arith.subi %scan3A_661, %sub3A_739 : i32
        %mul3A_741 = arith.constant 25 : i32
        %mul3A_742 = arith.muli %add3A, %mul3A_741 : i32
        %add3A_743 = arith.addi %mul3A_742, %sub3A_740 : i32
        %shift_right_logical3A_744 = arith.constant 5 : i32
        %shift_right_logical3A_745 = arith.shrui %add3A_743, %shift_right_logical3A_744 : i32
        %and3A_746 = arith.constant 31 : i32
        %and3A_747 = arith.andi %add3A_743, %and3A_746 : i32
        %mul3A_748 = arith.constant 8 : i32
        %mul3A_749 = arith.muli %mul3A_748, %shift_right_logical3A_745 : i32
        %mul3A_750 = arith.constant 4 : i32
        %mul3A_751 = arith.muli %mul3A_750, %and3A_747 : i32
        %dma_wait3A_752 = arith.constant 0 : i32
        %dma_wait3A_753 = arith.constant 0 : i32
        %dma_wait3A_754 = arith.constant 0 : i32
        %dma_wait3A_755 = arith.constant 0 : i32
        %dma_wait3A_756 = tpu.memref_slice %arg7[%and3A_663, %dma_wait3A_752, %dma_wait3A_753, %dma_wait3A_754, %dma_wait3A_755] : memref<4x8x4x2x128xf32, #tpu.memory_space<vmem>> -> memref<1x8x4x2x128xf32, #tpu.memory_space<vmem>>
        %dma_wait3A_757 = tpu.memref_squeeze %dma_wait3A_756 : memref<1x8x4x2x128xf32, #tpu.memory_space<vmem>> -> memref<8x4x2x128xf32, #tpu.memory_space<vmem>>
        %dma_wait3A_758 = arith.constant 0 : i32
        %dma_wait3A_759 = arith.constant 0 : i32
        %dma_wait3A_760 = tpu.memref_slice %arg4[%mul3A_749, %mul3A_751, %dma_wait3A_758, %dma_wait3A_759] : memref<200x128x2x128xf32, #tpu.memory_space<hbm>> -> memref<8x4x2x128xf32, #tpu.memory_space<hbm>>
        %dma_wait3A_761 = tpu.memref_slice %arg9[%and3A_663] : memref<4x!tpu.dma_semaphore, #tpu.memory_space<semaphore_mem>> -> memref<1x!tpu.dma_semaphore, #tpu.memory_space<semaphore_mem>>
        %dma_wait3A_762 = tpu.memref_squeeze %dma_wait3A_761 : memref<1x!tpu.dma_semaphore, #tpu.memory_space<semaphore_mem>> -> memref<!tpu.dma_semaphore, #tpu.memory_space<semaphore_mem>>
        %dma_wait3A_763 = arith.constant 0 : i32
        %dma_wait3A_764 = arith.constant 0 : i32
        %dma_wait3A_765 = tpu.memref_slice %arg4[%mul3A_749, %mul3A_751, %dma_wait3A_763, %dma_wait3A_764] : memref<200x128x2x128xf32, #tpu.memory_space<hbm>> -> memref<8x4x2x128xf32, #tpu.memory_space<hbm>>
        %dma_wait3A_766 = arith.constant 0 : i32
        %dma_wait3A_767 = arith.constant 0 : i32
        %dma_wait3A_768 = arith.constant 0 : i32
        %dma_wait3A_769 = arith.constant 0 : i32
        %dma_wait3A_770 = tpu.memref_slice %arg7[%and3A_663, %dma_wait3A_766, %dma_wait3A_767, %dma_wait3A_768, %dma_wait3A_769] : memref<4x8x4x2x128xf32, #tpu.memory_space<vmem>> -> memref<1x8x4x2x128xf32, #tpu.memory_space<vmem>>
        %dma_wait3A_771 = tpu.memref_squeeze %dma_wait3A_770 : memref<1x8x4x2x128xf32, #tpu.memory_space<vmem>> -> memref<8x4x2x128xf32, #tpu.memory_space<vmem>>
        tpu.wait_dma2 semaphore(%dma_wait3A_762 : memref<!tpu.dma_semaphore, #tpu.memory_space<semaphore_mem>>) src(%dma_wait3A_771 : memref<8x4x2x128xf32, #tpu.memory_space<vmem>>) dst(%dma_wait3A_765 : memref<8x4x2x128xf32, #tpu.memory_space<hbm>>)
      } else {
      }
      %scan3A_702 = arith.constant 0 : i32
      %scan3A_703 = arith.constant 0 : i32
      %scan3A_704 = arith.constant 32 : i32
      %scan3A_705 = arith.addi %scan3A_703, %scan3A_704 : i32
      %scan3A_706 = arith.constant 2 : i32
      scf.for %scan3A_739 = %scan3A_703 to %scan3A_705 step %scan3A_706  : i32 {
        %shift_right_logical3A_740 = arith.constant 3 : i32
        %shift_right_logical3A_741 = arith.shrui %scan3A_739, %shift_right_logical3A_740 : i32
        %and3A_742 = arith.constant 7 : i32
        %and3A_743 = arith.andi %scan3A_739, %and3A_742 : i32
        %get3A_744 = arith.index_cast %and3A_663 : i32 to index
        %get3A_745 = arith.index_cast %shift_right_logical3A_741 : i32 to index
        %get3A_746 = arith.index_cast %and3A_743 : i32 to index
        %get3A_747 = arith.constant 0 : index
        %get3A_748 = tpu.vector_load %arg6[%get3A_744, %get3A_745, %get3A_746, %get3A_747] {strides = array<i32>} : memref<4x4x8x128xi32, #tpu.memory_space<vmem>>, vector<16xi32>,
        %convert_element_type3A_749 = arith.sitofp %get3A_748 : vector<16xi32> to vector<16xf32>
        %get3A_750 = arith.index_cast %and3A_663 : i32 to index
        %get3A_751 = arith.index_cast %shift_right_logical3A_741 : i32 to index
        %get3A_752 = arith.index_cast %and3A_743 : i32 to index
        %get3A_753 = arith.constant 16 : index
        %get3A_754 = tpu.vector_load %arg6[%get3A_750, %get3A_751, %get3A_752, %get3A_753] {strides = array<i32>} : memref<4x4x8x128xi32, #tpu.memory_space<vmem>>, vector<16xi32>,
        %convert_element_type3A_755 = arith.sitofp %get3A_754 : vector<16xi32> to vector<16xf32>
        %get3A_756 = arith.index_cast %and3A_663 : i32 to index
        %get3A_757 = arith.index_cast %shift_right_logical3A_741 : i32 to index
        %get3A_758 = arith.index_cast %and3A_743 : i32 to index
        %get3A_759 = arith.constant 32 : index
        %get3A_760 = tpu.vector_load %arg6[%get3A_756, %get3A_757, %get3A_758, %get3A_759] {strides = array<i32>} : memref<4x4x8x128xi32, #tpu.memory_space<vmem>>, vector<16xi32>,
        %convert_element_type3A_761 = arith.sitofp %get3A_760 : vector<16xi32> to vector<16xf32>
        %get3A_762 = arith.index_cast %and3A_663 : i32 to index
        %get3A_763 = arith.index_cast %shift_right_logical3A_741 : i32 to index
        %get3A_764 = arith.index_cast %and3A_743 : i32 to index
        %get3A_765 = arith.constant 48 : index
        %get3A_766 = tpu.vector_load %arg6[%get3A_762, %get3A_763, %get3A_764, %get3A_765] {strides = array<i32>} : memref<4x4x8x128xi32, #tpu.memory_space<vmem>>, vector<16xi32>,
        %convert_element_type3A_767 = arith.sitofp %get3A_766 : vector<16xi32> to vector<16xf32>
        %get3A_768 = arith.index_cast %and3A_663 : i32 to index
        %get3A_769 = arith.index_cast %shift_right_logical3A_741 : i32 to index
        %get3A_770 = arith.index_cast %and3A_743 : i32 to index
        %get3A_771 = arith.constant 64 : index
        %get3A_772 = tpu.vector_load %arg6[%get3A_768, %get3A_769, %get3A_770, %get3A_771] {strides = array<i32>} : memref<4x4x8x128xi32, #tpu.memory_space<vmem>>, vector<16xi32>,
        %convert_element_type3A_773 = arith.sitofp %get3A_772 : vector<16xi32> to vector<16xf32>
        %get3A_774 = arith.index_cast %and3A_663 : i32 to index
        %get3A_775 = arith.index_cast %shift_right_logical3A_741 : i32 to index
        %get3A_776 = arith.index_cast %and3A_743 : i32 to index
        %get3A_777 = arith.constant 80 : index
        %get3A_778 = tpu.vector_load %arg6[%get3A_774, %get3A_775, %get3A_776, %get3A_777] {strides = array<i32>} : memref<4x4x8x128xi32, #tpu.memory_space<vmem>>, vector<16xi32>,
        %convert_element_type3A_779 = arith.sitofp %get3A_778 : vector<16xi32> to vector<16xf32>
        %get3A_780 = arith.index_cast %and3A_663 : i32 to index
        %get3A_781 = arith.index_cast %shift_right_logical3A_741 : i32 to index
        %get3A_782 = arith.index_cast %and3A_743 : i32 to index
        %get3A_783 = arith.constant 96 : index
        %get3A_784 = tpu.vector_load %arg6[%get3A_780, %get3A_781, %get3A_782, %get3A_783] {strides = array<i32>} : memref<4x4x8x128xi32, #tpu.memory_space<vmem>>, vector<16xi32>,
        %convert_element_type3A_785 = arith.sitofp %get3A_784 : vector<16xi32> to vector<16xf32>
        %get3A_786 = arith.index_cast %and3A_663 : i32 to index
        %get3A_787 = arith.index_cast %shift_right_logical3A_741 : i32 to index
        %get3A_788 = arith.index_cast %and3A_743 : i32 to index
        %get3A_789 = arith.constant 112 : index
        %get3A_790 = tpu.vector_load %arg6[%get3A_786, %get3A_787, %get3A_788, %get3A_789] {strides = array<i32>} : memref<4x4x8x128xi32, #tpu.memory_space<vmem>>, vector<16xi32>,
        %convert_element_type3A_791 = arith.sitofp %get3A_790 : vector<16xi32> to vector<16xf32>
        %mul3A_792 = arith.mulf %convert_element_type3A_749, %broadcast_in_dim3A_423 : vector<16xf32>
        %add3A_793 = arith.addf %broadcast_in_dim3A_418, %mul3A_792 : vector<16xf32>
        %swap3A = arith.constant 0 : i32
        %swap3A_794 = arith.index_cast %and3A_663 : i32 to index
        %swap3A_795 = arith.index_cast %and3A_743 : i32 to index
        %swap3A_796 = arith.index_cast %shift_right_logical3A_741 : i32 to index
        %swap3A_797 = arith.index_cast %swap3A : i32 to index
        %swap3A_798 = arith.constant 0 : index
        %swap3A_799 = tpu.vector_load %arg7[%swap3A_794, %swap3A_795, %swap3A_796, %swap3A_797, %swap3A_798] {strides = array<i32>} : memref<4x8x4x2x128xf32, #tpu.memory_space<vmem>>, vector<16xf32>,
        tpu.vector_store %arg7[%swap3A_794, %swap3A_795, %swap3A_796, %swap3A_797, %swap3A_798], %add3A_793 {strides = array<i32>} : memref<4x8x4x2x128xf32, #tpu.memory_space<vmem>>, vector<16xf32>,
        %mul3A_800 = arith.mulf %convert_element_type3A_749, %broadcast_in_dim3A_427 : vector<16xf32>
        %add3A_801 = arith.addf %broadcast_in_dim3A_419, %mul3A_800 : vector<16xf32>
        %swap3A_802 = arith.constant 1 : i32
        %swap3A_803 = arith.index_cast %and3A_663 : i32 to index
        %swap3A_804 = arith.index_cast %and3A_743 : i32 to index
        %swap3A_805 = arith.index_cast %shift_right_logical3A_741 : i32 to index
        %swap3A_806 = arith.index_cast %swap3A_802 : i32 to index
        %swap3A_807 = arith.constant 0 : index
        %swap3A_808 = tpu.vector_load %arg7[%swap3A_803, %swap3A_804, %swap3A_805, %swap3A_806, %swap3A_807] {strides = array<i32>} : memref<4x8x4x2x128xf32, #tpu.memory_space<vmem>>, vector<16xf32>,
        tpu.vector_store %arg7[%swap3A_803, %swap3A_804, %swap3A_805, %swap3A_806, %swap3A_807], %add3A_801 {strides = array<i32>} : memref<4x8x4x2x128xf32, #tpu.memory_space<vmem>>, vector<16xf32>,
        %mul3A_809 = arith.mulf %convert_element_type3A_755, %broadcast_in_dim3A_423 : vector<16xf32>
        %add3A_810 = arith.addf %broadcast_in_dim3A_418, %mul3A_809 : vector<16xf32>
        %swap3A_811 = arith.constant 0 : i32
        %swap3A_812 = arith.index_cast %and3A_663 : i32 to index
        %swap3A_813 = arith.index_cast %and3A_743 : i32 to index
        %swap3A_814 = arith.index_cast %shift_right_logical3A_741 : i32 to index
        %swap3A_815 = arith.index_cast %swap3A_811 : i32 to index
        %swap3A_816 = arith.constant 16 : index
        %swap3A_817 = tpu.vector_load %arg7[%swap3A_812, %swap3A_813, %swap3A_814, %swap3A_815, %swap3A_816] {strides = array<i32>} : memref<4x8x4x2x128xf32, #tpu.memory_space<vmem>>, vector<16xf32>,
        tpu.vector_store %arg7[%swap3A_812, %swap3A_813, %swap3A_814, %swap3A_815, %swap3A_816], %add3A_810 {strides = array<i32>} : memref<4x8x4x2x128xf32, #tpu.memory_space<vmem>>, vector<16xf32>,
        %mul3A_818 = arith.mulf %convert_element_type3A_755, %broadcast_in_dim3A_427 : vector<16xf32>
        %add3A_819 = arith.addf %broadcast_in_dim3A_419, %mul3A_818 : vector<16xf32>
        %swap3A_820 = arith.constant 1 : i32
        %swap3A_821 = arith.index_cast %and3A_663 : i32 to index
        %swap3A_822 = arith.index_cast %and3A_743 : i32 to index
        %swap3A_823 = arith.index_cast %shift_right_logical3A_741 : i32 to index
        %swap3A_824 = arith.index_cast %swap3A_820 : i32 to index
        %swap3A_825 = arith.constant 16 : index
        %swap3A_826 = tpu.vector_load %arg7[%swap3A_821, %swap3A_822, %swap3A_823, %swap3A_824, %swap3A_825] {strides = array<i32>} : memref<4x8x4x2x128xf32, #tpu.memory_space<vmem>>, vector<16xf32>,
        tpu.vector_store %arg7[%swap3A_821, %swap3A_822, %swap3A_823, %swap3A_824, %swap3A_825], %add3A_819 {strides = array<i32>} : memref<4x8x4x2x128xf32, #tpu.memory_space<vmem>>, vector<16xf32>,
        %mul3A_827 = arith.mulf %convert_element_type3A_761, %broadcast_in_dim3A_423 : vector<16xf32>
        %add3A_828 = arith.addf %broadcast_in_dim3A_418, %mul3A_827 : vector<16xf32>
        %swap3A_829 = arith.constant 0 : i32
        %swap3A_830 = arith.index_cast %and3A_663 : i32 to index
        %swap3A_831 = arith.index_cast %and3A_743 : i32 to index
        %swap3A_832 = arith.index_cast %shift_right_logical3A_741 : i32 to index
        %swap3A_833 = arith.index_cast %swap3A_829 : i32 to index
        %swap3A_834 = arith.constant 32 : index
        %swap3A_835 = tpu.vector_load %arg7[%swap3A_830, %swap3A_831, %swap3A_832, %swap3A_833, %swap3A_834] {strides = array<i32>} : memref<4x8x4x2x128xf32, #tpu.memory_space<vmem>>, vector<16xf32>,
        tpu.vector_store %arg7[%swap3A_830, %swap3A_831, %swap3A_832, %swap3A_833, %swap3A_834], %add3A_828 {strides = array<i32>} : memref<4x8x4x2x128xf32, #tpu.memory_space<vmem>>, vector<16xf32>,
        %mul3A_836 = arith.mulf %convert_element_type3A_761, %broadcast_in_dim3A_427 : vector<16xf32>
        %add3A_837 = arith.addf %broadcast_in_dim3A_419, %mul3A_836 : vector<16xf32>
        %swap3A_838 = arith.constant 1 : i32
        %swap3A_839 = arith.index_cast %and3A_663 : i32 to index
        %swap3A_840 = arith.index_cast %and3A_743 : i32 to index
        %swap3A_841 = arith.index_cast %shift_right_logical3A_741 : i32 to index
        %swap3A_842 = arith.index_cast %swap3A_838 : i32 to index
        %swap3A_843 = arith.constant 32 : index
        %swap3A_844 = tpu.vector_load %arg7[%swap3A_839, %swap3A_840, %swap3A_841, %swap3A_842, %swap3A_843] {strides = array<i32>} : memref<4x8x4x2x128xf32, #tpu.memory_space<vmem>>, vector<16xf32>,
        tpu.vector_store %arg7[%swap3A_839, %swap3A_840, %swap3A_841, %swap3A_842, %swap3A_843], %add3A_837 {strides = array<i32>} : memref<4x8x4x2x128xf32, #tpu.memory_space<vmem>>, vector<16xf32>,
        %mul3A_845 = arith.mulf %convert_element_type3A_767, %broadcast_in_dim3A_423 : vector<16xf32>
        %add3A_846 = arith.addf %broadcast_in_dim3A_418, %mul3A_845 : vector<16xf32>
        %swap3A_847 = arith.constant 0 : i32
        %swap3A_848 = arith.index_cast %and3A_663 : i32 to index
        %swap3A_849 = arith.index_cast %and3A_743 : i32 to index
        %swap3A_850 = arith.index_cast %shift_right_logical3A_741 : i32 to index
        %swap3A_851 = arith.index_cast %swap3A_847 : i32 to index
        %swap3A_852 = arith.constant 48 : index
        %swap3A_853 = tpu.vector_load %arg7[%swap3A_848, %swap3A_849, %swap3A_850, %swap3A_851, %swap3A_852] {strides = array<i32>} : memref<4x8x4x2x128xf32, #tpu.memory_space<vmem>>, vector<16xf32>,
        tpu.vector_store %arg7[%swap3A_848, %swap3A_849, %swap3A_850, %swap3A_851, %swap3A_852], %add3A_846 {strides = array<i32>} : memref<4x8x4x2x128xf32, #tpu.memory_space<vmem>>, vector<16xf32>,
        %mul3A_854 = arith.mulf %convert_element_type3A_767, %broadcast_in_dim3A_427 : vector<16xf32>
        %add3A_855 = arith.addf %broadcast_in_dim3A_419, %mul3A_854 : vector<16xf32>
        %swap3A_856 = arith.constant 1 : i32
        %swap3A_857 = arith.index_cast %and3A_663 : i32 to index
        %swap3A_858 = arith.index_cast %and3A_743 : i32 to index
        %swap3A_859 = arith.index_cast %shift_right_logical3A_741 : i32 to index
        %swap3A_860 = arith.index_cast %swap3A_856 : i32 to index
        %swap3A_861 = arith.constant 48 : index
        %swap3A_862 = tpu.vector_load %arg7[%swap3A_857, %swap3A_858, %swap3A_859, %swap3A_860, %swap3A_861] {strides = array<i32>} : memref<4x8x4x2x128xf32, #tpu.memory_space<vmem>>, vector<16xf32>,
        tpu.vector_store %arg7[%swap3A_857, %swap3A_858, %swap3A_859, %swap3A_860, %swap3A_861], %add3A_855 {strides = array<i32>} : memref<4x8x4x2x128xf32, #tpu.memory_space<vmem>>, vector<16xf32>,
        %mul3A_863 = arith.mulf %convert_element_type3A_773, %broadcast_in_dim3A_423 : vector<16xf32>
        %add3A_864 = arith.addf %broadcast_in_dim3A_418, %mul3A_863 : vector<16xf32>
        %swap3A_865 = arith.constant 0 : i32
        %swap3A_866 = arith.index_cast %and3A_663 : i32 to index
        %swap3A_867 = arith.index_cast %and3A_743 : i32 to index
        %swap3A_868 = arith.index_cast %shift_right_logical3A_741 : i32 to index
        %swap3A_869 = arith.index_cast %swap3A_865 : i32 to index
        %swap3A_870 = arith.constant 64 : index
        %swap3A_871 = tpu.vector_load %arg7[%swap3A_866, %swap3A_867, %swap3A_868, %swap3A_869, %swap3A_870] {strides = array<i32>} : memref<4x8x4x2x128xf32, #tpu.memory_space<vmem>>, vector<16xf32>,
        tpu.vector_store %arg7[%swap3A_866, %swap3A_867, %swap3A_868, %swap3A_869, %swap3A_870], %add3A_864 {strides = array<i32>} : memref<4x8x4x2x128xf32, #tpu.memory_space<vmem>>, vector<16xf32>,
        %mul3A_872 = arith.mulf %convert_element_type3A_773, %broadcast_in_dim3A_427 : vector<16xf32>
        %add3A_873 = arith.addf %broadcast_in_dim3A_419, %mul3A_872 : vector<16xf32>
        %swap3A_874 = arith.constant 1 : i32
        %swap3A_875 = arith.index_cast %and3A_663 : i32 to index
        %swap3A_876 = arith.index_cast %and3A_743 : i32 to index
        %swap3A_877 = arith.index_cast %shift_right_logical3A_741 : i32 to index
        %swap3A_878 = arith.index_cast %swap3A_874 : i32 to index
        %swap3A_879 = arith.constant 64 : index
        %swap3A_880 = tpu.vector_load %arg7[%swap3A_875, %swap3A_876, %swap3A_877, %swap3A_878, %swap3A_879] {strides = array<i32>} : memref<4x8x4x2x128xf32, #tpu.memory_space<vmem>>, vector<16xf32>,
        tpu.vector_store %arg7[%swap3A_875, %swap3A_876, %swap3A_877, %swap3A_878, %swap3A_879], %add3A_873 {strides = array<i32>} : memref<4x8x4x2x128xf32, #tpu.memory_space<vmem>>, vector<16xf32>,
        %mul3A_881 = arith.mulf %convert_element_type3A_779, %broadcast_in_dim3A_423 : vector<16xf32>
        %add3A_882 = arith.addf %broadcast_in_dim3A_418, %mul3A_881 : vector<16xf32>
        %swap3A_883 = arith.constant 0 : i32
        %swap3A_884 = arith.index_cast %and3A_663 : i32 to index
        %swap3A_885 = arith.index_cast %and3A_743 : i32 to index
        %swap3A_886 = arith.index_cast %shift_right_logical3A_741 : i32 to index
        %swap3A_887 = arith.index_cast %swap3A_883 : i32 to index
        %swap3A_888 = arith.constant 80 : index
        %swap3A_889 = tpu.vector_load %arg7[%swap3A_884, %swap3A_885, %swap3A_886, %swap3A_887, %swap3A_888] {strides = array<i32>} : memref<4x8x4x2x128xf32, #tpu.memory_space<vmem>>, vector<16xf32>,
        tpu.vector_store %arg7[%swap3A_884, %swap3A_885, %swap3A_886, %swap3A_887, %swap3A_888], %add3A_882 {strides = array<i32>} : memref<4x8x4x2x128xf32, #tpu.memory_space<vmem>>, vector<16xf32>,
        %mul3A_890 = arith.mulf %convert_element_type3A_779, %broadcast_in_dim3A_427 : vector<16xf32>
        %add3A_891 = arith.addf %broadcast_in_dim3A_419, %mul3A_890 : vector<16xf32>
        %swap3A_892 = arith.constant 1 : i32
        %swap3A_893 = arith.index_cast %and3A_663 : i32 to index
        %swap3A_894 = arith.index_cast %and3A_743 : i32 to index
        %swap3A_895 = arith.index_cast %shift_right_logical3A_741 : i32 to index
        %swap3A_896 = arith.index_cast %swap3A_892 : i32 to index
        %swap3A_897 = arith.constant 80 : index
        %swap3A_898 = tpu.vector_load %arg7[%swap3A_893, %swap3A_894, %swap3A_895, %swap3A_896, %swap3A_897] {strides = array<i32>} : memref<4x8x4x2x128xf32, #tpu.memory_space<vmem>>, vector<16xf32>,
        tpu.vector_store %arg7[%swap3A_893, %swap3A_894, %swap3A_895, %swap3A_896, %swap3A_897], %add3A_891 {strides = array<i32>} : memref<4x8x4x2x128xf32, #tpu.memory_space<vmem>>, vector<16xf32>,
        %mul3A_899 = arith.mulf %convert_element_type3A_785, %broadcast_in_dim3A_423 : vector<16xf32>
        %add3A_900 = arith.addf %broadcast_in_dim3A_418, %mul3A_899 : vector<16xf32>
        %swap3A_901 = arith.constant 0 : i32
        %swap3A_902 = arith.index_cast %and3A_663 : i32 to index
        %swap3A_903 = arith.index_cast %and3A_743 : i32 to index
        %swap3A_904 = arith.index_cast %shift_right_logical3A_741 : i32 to index
        %swap3A_905 = arith.index_cast %swap3A_901 : i32 to index
        %swap3A_906 = arith.constant 96 : index
        %swap3A_907 = tpu.vector_load %arg7[%swap3A_902, %swap3A_903, %swap3A_904, %swap3A_905, %swap3A_906] {strides = array<i32>} : memref<4x8x4x2x128xf32, #tpu.memory_space<vmem>>, vector<16xf32>,
        tpu.vector_store %arg7[%swap3A_902, %swap3A_903, %swap3A_904, %swap3A_905, %swap3A_906], %add3A_900 {strides = array<i32>} : memref<4x8x4x2x128xf32, #tpu.memory_space<vmem>>, vector<16xf32>,
        %mul3A_908 = arith.mulf %convert_element_type3A_785, %broadcast_in_dim3A_427 : vector<16xf32>
        %add3A_909 = arith.addf %broadcast_in_dim3A_419, %mul3A_908 : vector<16xf32>
        %swap3A_910 = arith.constant 1 : i32
        %swap3A_911 = arith.index_cast %and3A_663 : i32 to index
        %swap3A_912 = arith.index_cast %and3A_743 : i32 to index
        %swap3A_913 = arith.index_cast %shift_right_logical3A_741 : i32 to index
        %swap3A_914 = arith.index_cast %swap3A_910 : i32 to index
        %swap3A_915 = arith.constant 96 : index
        %swap3A_916 = tpu.vector_load %arg7[%swap3A_911, %swap3A_912, %swap3A_913, %swap3A_914, %swap3A_915] {strides = array<i32>} : memref<4x8x4x2x128xf32, #tpu.memory_space<vmem>>, vector<16xf32>,
        tpu.vector_store %arg7[%swap3A_911, %swap3A_912, %swap3A_913, %swap3A_914, %swap3A_915], %add3A_909 {strides = array<i32>} : memref<4x8x4x2x128xf32, #tpu.memory_space<vmem>>, vector<16xf32>,
        %mul3A_917 = arith.mulf %convert_element_type3A_791, %broadcast_in_dim3A_423 : vector<16xf32>
        %add3A_918 = arith.addf %broadcast_in_dim3A_418, %mul3A_917 : vector<16xf32>
        %swap3A_919 = arith.constant 0 : i32
        %swap3A_920 = arith.index_cast %and3A_663 : i32 to index
        %swap3A_921 = arith.index_cast %and3A_743 : i32 to index
        %swap3A_922 = arith.index_cast %shift_right_logical3A_741 : i32 to index
        %swap3A_923 = arith.index_cast %swap3A_919 : i32 to index
        %swap3A_924 = arith.constant 112 : index
        %swap3A_925 = tpu.vector_load %arg7[%swap3A_920, %swap3A_921, %swap3A_922, %swap3A_923, %swap3A_924] {strides = array<i32>} : memref<4x8x4x2x128xf32, #tpu.memory_space<vmem>>, vector<16xf32>,
        tpu.vector_store %arg7[%swap3A_920, %swap3A_921, %swap3A_922, %swap3A_923, %swap3A_924], %add3A_918 {strides = array<i32>} : memref<4x8x4x2x128xf32, #tpu.memory_space<vmem>>, vector<16xf32>,
        %mul3A_926 = arith.mulf %convert_element_type3A_791, %broadcast_in_dim3A_427 : vector<16xf32>
        %add3A_927 = arith.addf %broadcast_in_dim3A_419, %mul3A_926 : vector<16xf32>
        %swap3A_928 = arith.constant 1 : i32
        %swap3A_929 = arith.index_cast %and3A_663 : i32 to index
        %swap3A_930 = arith.index_cast %and3A_743 : i32 to index
        %swap3A_931 = arith.index_cast %shift_right_logical3A_741 : i32 to index
        %swap3A_932 = arith.index_cast %swap3A_928 : i32 to index
        %swap3A_933 = arith.constant 112 : index
        %swap3A_934 = tpu.vector_load %arg7[%swap3A_929, %swap3A_930, %swap3A_931, %swap3A_932, %swap3A_933] {strides = array<i32>} : memref<4x8x4x2x128xf32, #tpu.memory_space<vmem>>, vector<16xf32>,
        tpu.vector_store %arg7[%swap3A_929, %swap3A_930, %swap3A_931, %swap3A_932, %swap3A_933], %add3A_927 {strides = array<i32>} : memref<4x8x4x2x128xf32, #tpu.memory_space<vmem>>, vector<16xf32>,
        %scan3A_935 = arith.constant 1 : i32
        %scan3A_936 = arith.addi %scan3A_739, %scan3A_935 : i32
        %shift_right_logical3A_937 = arith.constant 3 : i32
        %shift_right_logical3A_938 = arith.shrui %scan3A_936, %shift_right_logical3A_937 : i32
        %and3A_939 = arith.constant 7 : i32
        %and3A_940 = arith.andi %scan3A_936, %and3A_939 : i32
        %get3A_941 = arith.index_cast %and3A_663 : i32 to index
        %get3A_942 = arith.index_cast %shift_right_logical3A_938 : i32 to index
        %get3A_943 = arith.index_cast %and3A_940 : i32 to index
        %get3A_944 = arith.constant 0 : index
        %get3A_945 = tpu.vector_load %arg6[%get3A_941, %get3A_942, %get3A_943, %get3A_944] {strides = array<i32>} : memref<4x4x8x128xi32, #tpu.memory_space<vmem>>, vector<16xi32>,
        %convert_element_type3A_946 = arith.sitofp %get3A_945 : vector<16xi32> to vector<16xf32>
        %get3A_947 = arith.index_cast %and3A_663 : i32 to index
        %get3A_948 = arith.index_cast %shift_right_logical3A_938 : i32 to index
        %get3A_949 = arith.index_cast %and3A_940 : i32 to index
        %get3A_950 = arith.constant 16 : index
        %get3A_951 = tpu.vector_load %arg6[%get3A_947, %get3A_948, %get3A_949, %get3A_950] {strides = array<i32>} : memref<4x4x8x128xi32, #tpu.memory_space<vmem>>, vector<16xi32>,
        %convert_element_type3A_952 = arith.sitofp %get3A_951 : vector<16xi32> to vector<16xf32>
        %get3A_953 = arith.index_cast %and3A_663 : i32 to index
        %get3A_954 = arith.index_cast %shift_right_logical3A_938 : i32 to index
        %get3A_955 = arith.index_cast %and3A_940 : i32 to index
        %get3A_956 = arith.constant 32 : index
        %get3A_957 = tpu.vector_load %arg6[%get3A_953, %get3A_954, %get3A_955, %get3A_956] {strides = array<i32>} : memref<4x4x8x128xi32, #tpu.memory_space<vmem>>, vector<16xi32>,
        %convert_element_type3A_958 = arith.sitofp %get3A_957 : vector<16xi32> to vector<16xf32>
        %get3A_959 = arith.index_cast %and3A_663 : i32 to index
        %get3A_960 = arith.index_cast %shift_right_logical3A_938 : i32 to index
        %get3A_961 = arith.index_cast %and3A_940 : i32 to index
        %get3A_962 = arith.constant 48 : index
        %get3A_963 = tpu.vector_load %arg6[%get3A_959, %get3A_960, %get3A_961, %get3A_962] {strides = array<i32>} : memref<4x4x8x128xi32, #tpu.memory_space<vmem>>, vector<16xi32>,
        %convert_element_type3A_964 = arith.sitofp %get3A_963 : vector<16xi32> to vector<16xf32>
        %get3A_965 = arith.index_cast %and3A_663 : i32 to index
        %get3A_966 = arith.index_cast %shift_right_logical3A_938 : i32 to index
        %get3A_967 = arith.index_cast %and3A_940 : i32 to index
        %get3A_968 = arith.constant 64 : index
        %get3A_969 = tpu.vector_load %arg6[%get3A_965, %get3A_966, %get3A_967, %get3A_968] {strides = array<i32>} : memref<4x4x8x128xi32, #tpu.memory_space<vmem>>, vector<16xi32>,
        %convert_element_type3A_970 = arith.sitofp %get3A_969 : vector<16xi32> to vector<16xf32>
        %get3A_971 = arith.index_cast %and3A_663 : i32 to index
        %get3A_972 = arith.index_cast %shift_right_logical3A_938 : i32 to index
        %get3A_973 = arith.index_cast %and3A_940 : i32 to index
        %get3A_974 = arith.constant 80 : index
        %get3A_975 = tpu.vector_load %arg6[%get3A_971, %get3A_972, %get3A_973, %get3A_974] {strides = array<i32>} : memref<4x4x8x128xi32, #tpu.memory_space<vmem>>, vector<16xi32>,
        %convert_element_type3A_976 = arith.sitofp %get3A_975 : vector<16xi32> to vector<16xf32>
        %get3A_977 = arith.index_cast %and3A_663 : i32 to index
        %get3A_978 = arith.index_cast %shift_right_logical3A_938 : i32 to index
        %get3A_979 = arith.index_cast %and3A_940 : i32 to index
        %get3A_980 = arith.constant 96 : index
        %get3A_981 = tpu.vector_load %arg6[%get3A_977, %get3A_978, %get3A_979, %get3A_980] {strides = array<i32>} : memref<4x4x8x128xi32, #tpu.memory_space<vmem>>, vector<16xi32>,
        %convert_element_type3A_982 = arith.sitofp %get3A_981 : vector<16xi32> to vector<16xf32>
        %get3A_983 = arith.index_cast %and3A_663 : i32 to index
        %get3A_984 = arith.index_cast %shift_right_logical3A_938 : i32 to index
        %get3A_985 = arith.index_cast %and3A_940 : i32 to index
        %get3A_986 = arith.constant 112 : index
        %get3A_987 = tpu.vector_load %arg6[%get3A_983, %get3A_984, %get3A_985, %get3A_986] {strides = array<i32>} : memref<4x4x8x128xi32, #tpu.memory_space<vmem>>, vector<16xi32>,
        %convert_element_type3A_988 = arith.sitofp %get3A_987 : vector<16xi32> to vector<16xf32>
        %mul3A_989 = arith.mulf %convert_element_type3A_946, %broadcast_in_dim3A_423 : vector<16xf32>
        %add3A_990 = arith.addf %broadcast_in_dim3A_418, %mul3A_989 : vector<16xf32>
        %swap3A_991 = arith.constant 0 : i32
        %swap3A_992 = arith.index_cast %and3A_663 : i32 to index
        %swap3A_993 = arith.index_cast %and3A_940 : i32 to index
        %swap3A_994 = arith.index_cast %shift_right_logical3A_938 : i32 to index
        %swap3A_995 = arith.index_cast %swap3A_991 : i32 to index
        %swap3A_996 = arith.constant 0 : index
        %swap3A_997 = tpu.vector_load %arg7[%swap3A_992, %swap3A_993, %swap3A_994, %swap3A_995, %swap3A_996] {strides = array<i32>} : memref<4x8x4x2x128xf32, #tpu.memory_space<vmem>>, vector<16xf32>,
        tpu.vector_store %arg7[%swap3A_992, %swap3A_993, %swap3A_994, %swap3A_995, %swap3A_996], %add3A_990 {strides = array<i32>} : memref<4x8x4x2x128xf32, #tpu.memory_space<vmem>>, vector<16xf32>,
        %mul3A_998 = arith.mulf %convert_element_type3A_946, %broadcast_in_dim3A_427 : vector<16xf32>
        %add3A_999 = arith.addf %broadcast_in_dim3A_419, %mul3A_998 : vector<16xf32>
        %swap3A_1000 = arith.constant 1 : i32
        %swap3A_1001 = arith.index_cast %and3A_663 : i32 to index
        %swap3A_1002 = arith.index_cast %and3A_940 : i32 to index
        %swap3A_1003 = arith.index_cast %shift_right_logical3A_938 : i32 to index
        %swap3A_1004 = arith.index_cast %swap3A_1000 : i32 to index
        %swap3A_1005 = arith.constant 0 : index
        %swap3A_1006 = tpu.vector_load %arg7[%swap3A_1001, %swap3A_1002, %swap3A_1003, %swap3A_1004, %swap3A_1005] {strides = array<i32>} : memref<4x8x4x2x128xf32, #tpu.memory_space<vmem>>, vector<16xf32>,
        tpu.vector_store %arg7[%swap3A_1001, %swap3A_1002, %swap3A_1003, %swap3A_1004, %swap3A_1005], %add3A_999 {strides = array<i32>} : memref<4x8x4x2x128xf32, #tpu.memory_space<vmem>>, vector<16xf32>,
        %mul3A_1007 = arith.mulf %convert_element_type3A_952, %broadcast_in_dim3A_423 : vector<16xf32>
        %add3A_1008 = arith.addf %broadcast_in_dim3A_418, %mul3A_1007 : vector<16xf32>
        %swap3A_1009 = arith.constant 0 : i32
        %swap3A_1010 = arith.index_cast %and3A_663 : i32 to index
        %swap3A_1011 = arith.index_cast %and3A_940 : i32 to index
        %swap3A_1012 = arith.index_cast %shift_right_logical3A_938 : i32 to index
        %swap3A_1013 = arith.index_cast %swap3A_1009 : i32 to index
        %swap3A_1014 = arith.constant 16 : index
        %swap3A_1015 = tpu.vector_load %arg7[%swap3A_1010, %swap3A_1011, %swap3A_1012, %swap3A_1013, %swap3A_1014] {strides = array<i32>} : memref<4x8x4x2x128xf32, #tpu.memory_space<vmem>>, vector<16xf32>,
        tpu.vector_store %arg7[%swap3A_1010, %swap3A_1011, %swap3A_1012, %swap3A_1013, %swap3A_1014], %add3A_1008 {strides = array<i32>} : memref<4x8x4x2x128xf32, #tpu.memory_space<vmem>>, vector<16xf32>,
        %mul3A_1016 = arith.mulf %convert_element_type3A_952, %broadcast_in_dim3A_427 : vector<16xf32>
        %add3A_1017 = arith.addf %broadcast_in_dim3A_419, %mul3A_1016 : vector<16xf32>
        %swap3A_1018 = arith.constant 1 : i32
        %swap3A_1019 = arith.index_cast %and3A_663 : i32 to index
        %swap3A_1020 = arith.index_cast %and3A_940 : i32 to index
        %swap3A_1021 = arith.index_cast %shift_right_logical3A_938 : i32 to index
        %swap3A_1022 = arith.index_cast %swap3A_1018 : i32 to index
        %swap3A_1023 = arith.constant 16 : index
        %swap3A_1024 = tpu.vector_load %arg7[%swap3A_1019, %swap3A_1020, %swap3A_1021, %swap3A_1022, %swap3A_1023] {strides = array<i32>} : memref<4x8x4x2x128xf32, #tpu.memory_space<vmem>>, vector<16xf32>,
        tpu.vector_store %arg7[%swap3A_1019, %swap3A_1020, %swap3A_1021, %swap3A_1022, %swap3A_1023], %add3A_1017 {strides = array<i32>} : memref<4x8x4x2x128xf32, #tpu.memory_space<vmem>>, vector<16xf32>,
        %mul3A_1025 = arith.mulf %convert_element_type3A_958, %broadcast_in_dim3A_423 : vector<16xf32>
        %add3A_1026 = arith.addf %broadcast_in_dim3A_418, %mul3A_1025 : vector<16xf32>
        %swap3A_1027 = arith.constant 0 : i32
        %swap3A_1028 = arith.index_cast %and3A_663 : i32 to index
        %swap3A_1029 = arith.index_cast %and3A_940 : i32 to index
        %swap3A_1030 = arith.index_cast %shift_right_logical3A_938 : i32 to index
        %swap3A_1031 = arith.index_cast %swap3A_1027 : i32 to index
        %swap3A_1032 = arith.constant 32 : index
        %swap3A_1033 = tpu.vector_load %arg7[%swap3A_1028, %swap3A_1029, %swap3A_1030, %swap3A_1031, %swap3A_1032] {strides = array<i32>} : memref<4x8x4x2x128xf32, #tpu.memory_space<vmem>>, vector<16xf32>,
        tpu.vector_store %arg7[%swap3A_1028, %swap3A_1029, %swap3A_1030, %swap3A_1031, %swap3A_1032], %add3A_1026 {strides = array<i32>} : memref<4x8x4x2x128xf32, #tpu.memory_space<vmem>>, vector<16xf32>,
        %mul3A_1034 = arith.mulf %convert_element_type3A_958, %broadcast_in_dim3A_427 : vector<16xf32>
        %add3A_1035 = arith.addf %broadcast_in_dim3A_419, %mul3A_1034 : vector<16xf32>
        %swap3A_1036 = arith.constant 1 : i32
        %swap3A_1037 = arith.index_cast %and3A_663 : i32 to index
        %swap3A_1038 = arith.index_cast %and3A_940 : i32 to index
        %swap3A_1039 = arith.index_cast %shift_right_logical3A_938 : i32 to index
        %swap3A_1040 = arith.index_cast %swap3A_1036 : i32 to index
        %swap3A_1041 = arith.constant 32 : index
        %swap3A_1042 = tpu.vector_load %arg7[%swap3A_1037, %swap3A_1038, %swap3A_1039, %swap3A_1040, %swap3A_1041] {strides = array<i32>} : memref<4x8x4x2x128xf32, #tpu.memory_space<vmem>>, vector<16xf32>,
        tpu.vector_store %arg7[%swap3A_1037, %swap3A_1038, %swap3A_1039, %swap3A_1040, %swap3A_1041], %add3A_1035 {strides = array<i32>} : memref<4x8x4x2x128xf32, #tpu.memory_space<vmem>>, vector<16xf32>,
        %mul3A_1043 = arith.mulf %convert_element_type3A_964, %broadcast_in_dim3A_423 : vector<16xf32>
        %add3A_1044 = arith.addf %broadcast_in_dim3A_418, %mul3A_1043 : vector<16xf32>
        %swap3A_1045 = arith.constant 0 : i32
        %swap3A_1046 = arith.index_cast %and3A_663 : i32 to index
        %swap3A_1047 = arith.index_cast %and3A_940 : i32 to index
        %swap3A_1048 = arith.index_cast %shift_right_logical3A_938 : i32 to index
        %swap3A_1049 = arith.index_cast %swap3A_1045 : i32 to index
        %swap3A_1050 = arith.constant 48 : index
        %swap3A_1051 = tpu.vector_load %arg7[%swap3A_1046, %swap3A_1047, %swap3A_1048, %swap3A_1049, %swap3A_1050] {strides = array<i32>} : memref<4x8x4x2x128xf32, #tpu.memory_space<vmem>>, vector<16xf32>,
        tpu.vector_store %arg7[%swap3A_1046, %swap3A_1047, %swap3A_1048, %swap3A_1049, %swap3A_1050], %add3A_1044 {strides = array<i32>} : memref<4x8x4x2x128xf32, #tpu.memory_space<vmem>>, vector<16xf32>,
        %mul3A_1052 = arith.mulf %convert_element_type3A_964, %broadcast_in_dim3A_427 : vector<16xf32>
        %add3A_1053 = arith.addf %broadcast_in_dim3A_419, %mul3A_1052 : vector<16xf32>
        %swap3A_1054 = arith.constant 1 : i32
        %swap3A_1055 = arith.index_cast %and3A_663 : i32 to index
        %swap3A_1056 = arith.index_cast %and3A_940 : i32 to index
        %swap3A_1057 = arith.index_cast %shift_right_logical3A_938 : i32 to index
        %swap3A_1058 = arith.index_cast %swap3A_1054 : i32 to index
        %swap3A_1059 = arith.constant 48 : index
        %swap3A_1060 = tpu.vector_load %arg7[%swap3A_1055, %swap3A_1056, %swap3A_1057, %swap3A_1058, %swap3A_1059] {strides = array<i32>} : memref<4x8x4x2x128xf32, #tpu.memory_space<vmem>>, vector<16xf32>,
        tpu.vector_store %arg7[%swap3A_1055, %swap3A_1056, %swap3A_1057, %swap3A_1058, %swap3A_1059], %add3A_1053 {strides = array<i32>} : memref<4x8x4x2x128xf32, #tpu.memory_space<vmem>>, vector<16xf32>,
        %mul3A_1061 = arith.mulf %convert_element_type3A_970, %broadcast_in_dim3A_423 : vector<16xf32>
        %add3A_1062 = arith.addf %broadcast_in_dim3A_418, %mul3A_1061 : vector<16xf32>
        %swap3A_1063 = arith.constant 0 : i32
        %swap3A_1064 = arith.index_cast %and3A_663 : i32 to index
        %swap3A_1065 = arith.index_cast %and3A_940 : i32 to index
        %swap3A_1066 = arith.index_cast %shift_right_logical3A_938 : i32 to index
        %swap3A_1067 = arith.index_cast %swap3A_1063 : i32 to index
        %swap3A_1068 = arith.constant 64 : index
        %swap3A_1069 = tpu.vector_load %arg7[%swap3A_1064, %swap3A_1065, %swap3A_1066, %swap3A_1067, %swap3A_1068] {strides = array<i32>} : memref<4x8x4x2x128xf32, #tpu.memory_space<vmem>>, vector<16xf32>,
        tpu.vector_store %arg7[%swap3A_1064, %swap3A_1065, %swap3A_1066, %swap3A_1067, %swap3A_1068], %add3A_1062 {strides = array<i32>} : memref<4x8x4x2x128xf32, #tpu.memory_space<vmem>>, vector<16xf32>,
        %mul3A_1070 = arith.mulf %convert_element_type3A_970, %broadcast_in_dim3A_427 : vector<16xf32>
        %add3A_1071 = arith.addf %broadcast_in_dim3A_419, %mul3A_1070 : vector<16xf32>
        %swap3A_1072 = arith.constant 1 : i32
        %swap3A_1073 = arith.index_cast %and3A_663 : i32 to index
        %swap3A_1074 = arith.index_cast %and3A_940 : i32 to index
        %swap3A_1075 = arith.index_cast %shift_right_logical3A_938 : i32 to index
        %swap3A_1076 = arith.index_cast %swap3A_1072 : i32 to index
        %swap3A_1077 = arith.constant 64 : index
        %swap3A_1078 = tpu.vector_load %arg7[%swap3A_1073, %swap3A_1074, %swap3A_1075, %swap3A_1076, %swap3A_1077] {strides = array<i32>} : memref<4x8x4x2x128xf32, #tpu.memory_space<vmem>>, vector<16xf32>,
        tpu.vector_store %arg7[%swap3A_1073, %swap3A_1074, %swap3A_1075, %swap3A_1076, %swap3A_1077], %add3A_1071 {strides = array<i32>} : memref<4x8x4x2x128xf32, #tpu.memory_space<vmem>>, vector<16xf32>,
        %mul3A_1079 = arith.mulf %convert_element_type3A_976, %broadcast_in_dim3A_423 : vector<16xf32>
        %add3A_1080 = arith.addf %broadcast_in_dim3A_418, %mul3A_1079 : vector<16xf32>
        %swap3A_1081 = arith.constant 0 : i32
        %swap3A_1082 = arith.index_cast %and3A_663 : i32 to index
        %swap3A_1083 = arith.index_cast %and3A_940 : i32 to index
        %swap3A_1084 = arith.index_cast %shift_right_logical3A_938 : i32 to index
        %swap3A_1085 = arith.index_cast %swap3A_1081 : i32 to index
        %swap3A_1086 = arith.constant 80 : index
        %swap3A_1087 = tpu.vector_load %arg7[%swap3A_1082, %swap3A_1083, %swap3A_1084, %swap3A_1085, %swap3A_1086] {strides = array<i32>} : memref<4x8x4x2x128xf32, #tpu.memory_space<vmem>>, vector<16xf32>,
        tpu.vector_store %arg7[%swap3A_1082, %swap3A_1083, %swap3A_1084, %swap3A_1085, %swap3A_1086], %add3A_1080 {strides = array<i32>} : memref<4x8x4x2x128xf32, #tpu.memory_space<vmem>>, vector<16xf32>,
        %mul3A_1088 = arith.mulf %convert_element_type3A_976, %broadcast_in_dim3A_427 : vector<16xf32>
        %add3A_1089 = arith.addf %broadcast_in_dim3A_419, %mul3A_1088 : vector<16xf32>
        %swap3A_1090 = arith.constant 1 : i32
        %swap3A_1091 = arith.index_cast %and3A_663 : i32 to index
        %swap3A_1092 = arith.index_cast %and3A_940 : i32 to index
        %swap3A_1093 = arith.index_cast %shift_right_logical3A_938 : i32 to index
        %swap3A_1094 = arith.index_cast %swap3A_1090 : i32 to index
        %swap3A_1095 = arith.constant 80 : index
        %swap3A_1096 = tpu.vector_load %arg7[%swap3A_1091, %swap3A_1092, %swap3A_1093, %swap3A_1094, %swap3A_1095] {strides = array<i32>} : memref<4x8x4x2x128xf32, #tpu.memory_space<vmem>>, vector<16xf32>,
        tpu.vector_store %arg7[%swap3A_1091, %swap3A_1092, %swap3A_1093, %swap3A_1094, %swap3A_1095], %add3A_1089 {strides = array<i32>} : memref<4x8x4x2x128xf32, #tpu.memory_space<vmem>>, vector<16xf32>,
        %mul3A_1097 = arith.mulf %convert_element_type3A_982, %broadcast_in_dim3A_423 : vector<16xf32>
        %add3A_1098 = arith.addf %broadcast_in_dim3A_418, %mul3A_1097 : vector<16xf32>
        %swap3A_1099 = arith.constant 0 : i32
        %swap3A_1100 = arith.index_cast %and3A_663 : i32 to index
        %swap3A_1101 = arith.index_cast %and3A_940 : i32 to index
        %swap3A_1102 = arith.index_cast %shift_right_logical3A_938 : i32 to index
        %swap3A_1103 = arith.index_cast %swap3A_1099 : i32 to index
        %swap3A_1104 = arith.constant 96 : index
        %swap3A_1105 = tpu.vector_load %arg7[%swap3A_1100, %swap3A_1101, %swap3A_1102, %swap3A_1103, %swap3A_1104] {strides = array<i32>} : memref<4x8x4x2x128xf32, #tpu.memory_space<vmem>>, vector<16xf32>,
        tpu.vector_store %arg7[%swap3A_1100, %swap3A_1101, %swap3A_1102, %swap3A_1103, %swap3A_1104], %add3A_1098 {strides = array<i32>} : memref<4x8x4x2x128xf32, #tpu.memory_space<vmem>>, vector<16xf32>,
        %mul3A_1106 = arith.mulf %convert_element_type3A_982, %broadcast_in_dim3A_427 : vector<16xf32>
        %add3A_1107 = arith.addf %broadcast_in_dim3A_419, %mul3A_1106 : vector<16xf32>
        %swap3A_1108 = arith.constant 1 : i32
        %swap3A_1109 = arith.index_cast %and3A_663 : i32 to index
        %swap3A_1110 = arith.index_cast %and3A_940 : i32 to index
        %swap3A_1111 = arith.index_cast %shift_right_logical3A_938 : i32 to index
        %swap3A_1112 = arith.index_cast %swap3A_1108 : i32 to index
        %swap3A_1113 = arith.constant 96 : index
        %swap3A_1114 = tpu.vector_load %arg7[%swap3A_1109, %swap3A_1110, %swap3A_1111, %swap3A_1112, %swap3A_1113] {strides = array<i32>} : memref<4x8x4x2x128xf32, #tpu.memory_space<vmem>>, vector<16xf32>,
        tpu.vector_store %arg7[%swap3A_1109, %swap3A_1110, %swap3A_1111, %swap3A_1112, %swap3A_1113], %add3A_1107 {strides = array<i32>} : memref<4x8x4x2x128xf32, #tpu.memory_space<vmem>>, vector<16xf32>,
        %mul3A_1115 = arith.mulf %convert_element_type3A_988, %broadcast_in_dim3A_423 : vector<16xf32>
        %add3A_1116 = arith.addf %broadcast_in_dim3A_418, %mul3A_1115 : vector<16xf32>
        %swap3A_1117 = arith.constant 0 : i32
        %swap3A_1118 = arith.index_cast %and3A_663 : i32 to index
        %swap3A_1119 = arith.index_cast %and3A_940 : i32 to index
        %swap3A_1120 = arith.index_cast %shift_right_logical3A_938 : i32 to index
        %swap3A_1121 = arith.index_cast %swap3A_1117 : i32 to index
        %swap3A_1122 = arith.constant 112 : index
        %swap3A_1123 = tpu.vector_load %arg7[%swap3A_1118, %swap3A_1119, %swap3A_1120, %swap3A_1121, %swap3A_1122] {strides = array<i32>} : memref<4x8x4x2x128xf32, #tpu.memory_space<vmem>>, vector<16xf32>,
        tpu.vector_store %arg7[%swap3A_1118, %swap3A_1119, %swap3A_1120, %swap3A_1121, %swap3A_1122], %add3A_1116 {strides = array<i32>} : memref<4x8x4x2x128xf32, #tpu.memory_space<vmem>>, vector<16xf32>,
        %mul3A_1124 = arith.mulf %convert_element_type3A_988, %broadcast_in_dim3A_427 : vector<16xf32>
        %add3A_1125 = arith.addf %broadcast_in_dim3A_419, %mul3A_1124 : vector<16xf32>
        %swap3A_1126 = arith.constant 1 : i32
        %swap3A_1127 = arith.index_cast %and3A_663 : i32 to index
        %swap3A_1128 = arith.index_cast %and3A_940 : i32 to index
        %swap3A_1129 = arith.index_cast %shift_right_logical3A_938 : i32 to index
        %swap3A_1130 = arith.index_cast %swap3A_1126 : i32 to index
        %swap3A_1131 = arith.constant 112 : index
        %swap3A_1132 = tpu.vector_load %arg7[%swap3A_1127, %swap3A_1128, %swap3A_1129, %swap3A_1130, %swap3A_1131] {strides = array<i32>} : memref<4x8x4x2x128xf32, #tpu.memory_space<vmem>>, vector<16xf32>,
        tpu.vector_store %arg7[%swap3A_1127, %swap3A_1128, %swap3A_1129, %swap3A_1130, %swap3A_1131], %add3A_1125 {strides = array<i32>} : memref<4x8x4x2x128xf32, #tpu.memory_space<vmem>>, vector<16xf32>,
      }
      %scan3A_707 = arith.constant 32 : i32
      %mul3A_708 = arith.constant 25 : i32
      %mul3A_709 = arith.muli %add3A, %mul3A_708 : i32
      %add3A_710 = arith.addi %mul3A_709, %scan3A_661 : i32
      %shift_right_logical3A_711 = arith.constant 5 : i32
      %shift_right_logical3A_712 = arith.shrui %add3A_710, %shift_right_logical3A_711 : i32
      %and3A_713 = arith.constant 31 : i32
      %and3A_714 = arith.andi %add3A_710, %and3A_713 : i32
      %mul3A_715 = arith.constant 8 : i32
      %mul3A_716 = arith.muli %mul3A_715, %shift_right_logical3A_712 : i32
      %mul3A_717 = arith.constant 4 : i32
      %mul3A_718 = arith.muli %mul3A_717, %and3A_714 : i32
      %dma_start3A_719 = arith.constant 0 : i32
      %dma_start3A_720 = arith.constant 0 : i32
      %dma_start3A_721 = arith.constant 0 : i32
      %dma_start3A_722 = arith.constant 0 : i32
      %dma_start3A_723 = tpu.memref_slice %arg7[%and3A_663, %dma_start3A_719, %dma_start3A_720, %dma_start3A_721, %dma_start3A_722] : memref<4x8x4x2x128xf32, #tpu.memory_space<vmem>> -> memref<1x8x4x2x128xf32, #tpu.memory_space<vmem>>
      %dma_start3A_724 = tpu.memref_squeeze %dma_start3A_723 : memref<1x8x4x2x128xf32, #tpu.memory_space<vmem>> -> memref<8x4x2x128xf32, #tpu.memory_space<vmem>>
      %dma_start3A_725 = arith.constant 0 : i32
      %dma_start3A_726 = arith.constant 0 : i32
      %dma_start3A_727 = tpu.memref_slice %arg4[%mul3A_716, %mul3A_718, %dma_start3A_725, %dma_start3A_726] : memref<200x128x2x128xf32, #tpu.memory_space<hbm>> -> memref<8x4x2x128xf32, #tpu.memory_space<hbm>>
      %dma_start3A_728 = tpu.memref_slice %arg9[%and3A_663] : memref<4x!tpu.dma_semaphore, #tpu.memory_space<semaphore_mem>> -> memref<1x!tpu.dma_semaphore, #tpu.memory_space<semaphore_mem>>
      %dma_start3A_729 = tpu.memref_squeeze %dma_start3A_728 : memref<1x!tpu.dma_semaphore, #tpu.memory_space<semaphore_mem>> -> memref<!tpu.dma_semaphore, #tpu.memory_space<semaphore_mem>>
      %dma_start3A_730 = arith.constant 0 : i32
      %dma_start3A_731 = arith.constant 0 : i32
      %dma_start3A_732 = tpu.memref_slice %arg4[%mul3A_716, %mul3A_718, %dma_start3A_730, %dma_start3A_731] : memref<200x128x2x128xf32, #tpu.memory_space<hbm>> -> memref<8x4x2x128xf32, #tpu.memory_space<hbm>>
      %dma_start3A_733 = arith.constant 0 : i32
      %dma_start3A_734 = arith.constant 0 : i32
      %dma_start3A_735 = arith.constant 0 : i32
      %dma_start3A_736 = arith.constant 0 : i32
      %dma_start3A_737 = tpu.memref_slice %arg7[%and3A_663, %dma_start3A_733, %dma_start3A_734, %dma_start3A_735, %dma_start3A_736] : memref<4x8x4x2x128xf32, #tpu.memory_space<vmem>> -> memref<1x8x4x2x128xf32, #tpu.memory_space<vmem>>
      %dma_start3A_738 = tpu.memref_squeeze %dma_start3A_737 : memref<1x8x4x2x128xf32, #tpu.memory_space<vmem>> -> memref<8x4x2x128xf32, #tpu.memory_space<vmem>>
      tpu.enqueue_dma source(%dma_start3A_738 : memref<8x4x2x128xf32, #tpu.memory_space<vmem>>) target(%dma_start3A_732 : memref<8x4x2x128xf32, #tpu.memory_space<hbm>>) target_semaphore(%dma_start3A_729 : memref<!tpu.dma_semaphore, #tpu.memory_space<semaphore_mem>>)
    }
    %scan3A_525 = arith.constant 25 : i32
    %mul3A_526 = arith.constant 25 : i32
    %mul3A_527 = arith.muli %add3A, %mul3A_526 : i32
    %add3A_528 = arith.constant 21 : i32
    %add3A_529 = arith.addi %mul3A_527, %add3A_528 : i32
    %shift_right_logical3A_530 = arith.constant 5 : i32
    %shift_right_logical3A_531 = arith.shrui %add3A_529, %shift_right_logical3A_530 : i32
    %and3A_532 = arith.constant 31 : i32
    %and3A_533 = arith.andi %add3A_529, %and3A_532 : i32
    %mul3A_534 = arith.constant 8 : i32
    %mul3A_535 = arith.muli %mul3A_534, %shift_right_logical3A_531 : i32
    %mul3A_536 = arith.constant 4 : i32
    %mul3A_537 = arith.muli %mul3A_536, %and3A_533 : i32
    %dma_wait3A = arith.constant 1 : i32
    %dma_wait3A_538 = arith.constant 1 : i32
    %dma_wait3A_539 = arith.constant 0 : i32
    %dma_wait3A_540 = arith.constant 0 : i32
    %dma_wait3A_541 = arith.constant 0 : i32
    %dma_wait3A_542 = arith.constant 0 : i32
    %dma_wait3A_543 = tpu.memref_slice %arg7[%dma_wait3A, %dma_wait3A_539, %dma_wait3A_540, %dma_wait3A_541, %dma_wait3A_542] : memref<4x8x4x2x128xf32, #tpu.memory_space<vmem>> -> memref<1x8x4x2x128xf32, #tpu.memory_space<vmem>>
    %dma_wait3A_544 = tpu.memref_squeeze %dma_wait3A_543 : memref<1x8x4x2x128xf32, #tpu.memory_space<vmem>> -> memref<8x4x2x128xf32, #tpu.memory_space<vmem>>
    %dma_wait3A_545 = arith.constant 0 : i32
    %dma_wait3A_546 = arith.constant 0 : i32
    %dma_wait3A_547 = tpu.memref_slice %arg4[%mul3A_535, %mul3A_537, %dma_wait3A_545, %dma_wait3A_546] : memref<200x128x2x128xf32, #tpu.memory_space<hbm>> -> memref<8x4x2x128xf32, #tpu.memory_space<hbm>>
    %dma_wait3A_548 = tpu.memref_slice %arg9[%dma_wait3A_538] : memref<4x!tpu.dma_semaphore, #tpu.memory_space<semaphore_mem>> -> memref<1x!tpu.dma_semaphore, #tpu.memory_space<semaphore_mem>>
    %dma_wait3A_549 = tpu.memref_squeeze %dma_wait3A_548 : memref<1x!tpu.dma_semaphore, #tpu.memory_space<semaphore_mem>> -> memref<!tpu.dma_semaphore, #tpu.memory_space<semaphore_mem>>
    %dma_wait3A_550 = arith.constant 0 : i32
    %dma_wait3A_551 = arith.constant 0 : i32
    %dma_wait3A_552 = tpu.memref_slice %arg4[%mul3A_535, %mul3A_537, %dma_wait3A_550, %dma_wait3A_551] : memref<200x128x2x128xf32, #tpu.memory_space<hbm>> -> memref<8x4x2x128xf32, #tpu.memory_space<hbm>>
    %dma_wait3A_553 = arith.constant 0 : i32
    %dma_wait3A_554 = arith.constant 0 : i32
    %dma_wait3A_555 = arith.constant 0 : i32
    %dma_wait3A_556 = arith.constant 0 : i32
    %dma_wait3A_557 = tpu.memref_slice %arg7[%dma_wait3A, %dma_wait3A_553, %dma_wait3A_554, %dma_wait3A_555, %dma_wait3A_556] : memref<4x8x4x2x128xf32, #tpu.memory_space<vmem>> -> memref<1x8x4x2x128xf32, #tpu.memory_space<vmem>>
    %dma_wait3A_558 = tpu.memref_squeeze %dma_wait3A_557 : memref<1x8x4x2x128xf32, #tpu.memory_space<vmem>> -> memref<8x4x2x128xf32, #tpu.memory_space<vmem>>
    tpu.wait_dma2 semaphore(%dma_wait3A_549 : memref<!tpu.dma_semaphore, #tpu.memory_space<semaphore_mem>>) src(%dma_wait3A_558 : memref<8x4x2x128xf32, #tpu.memory_space<vmem>>) dst(%dma_wait3A_552 : memref<8x4x2x128xf32, #tpu.memory_space<hbm>>)
    %mul3A_559 = arith.constant 25 : i32
    %mul3A_560 = arith.muli %add3A, %mul3A_559 : i32
    %add3A_561 = arith.constant 22 : i32
    %add3A_562 = arith.addi %mul3A_560, %add3A_561 : i32
    %shift_right_logical3A_563 = arith.constant 5 : i32
    %shift_right_logical3A_564 = arith.shrui %add3A_562, %shift_right_logical3A_563 : i32
    %and3A_565 = arith.constant 31 : i32
    %and3A_566 = arith.andi %add3A_562, %and3A_565 : i32
    %mul3A_567 = arith.constant 8 : i32
    %mul3A_568 = arith.muli %mul3A_567, %shift_right_logical3A_564 : i32
    %mul3A_569 = arith.constant 4 : i32
    %mul3A_570 = arith.muli %mul3A_569, %and3A_566 : i32
    %dma_wait3A_571 = arith.constant 2 : i32
    %dma_wait3A_572 = arith.constant 2 : i32
    %dma_wait3A_573 = arith.constant 0 : i32
    %dma_wait3A_574 = arith.constant 0 : i32
    %dma_wait3A_575 = arith.constant 0 : i32
    %dma_wait3A_576 = arith.constant 0 : i32
    %dma_wait3A_577 = tpu.memref_slice %arg7[%dma_wait3A_571, %dma_wait3A_573, %dma_wait3A_574, %dma_wait3A_575, %dma_wait3A_576] : memref<4x8x4x2x128xf32, #tpu.memory_space<vmem>> -> memref<1x8x4x2x128xf32, #tpu.memory_space<vmem>>
    %dma_wait3A_578 = tpu.memref_squeeze %dma_wait3A_577 : memref<1x8x4x2x128xf32, #tpu.memory_space<vmem>> -> memref<8x4x2x128xf32, #tpu.memory_space<vmem>>
    %dma_wait3A_579 = arith.constant 0 : i32
    %dma_wait3A_580 = arith.constant 0 : i32
    %dma_wait3A_581 = tpu.memref_slice %arg4[%mul3A_568, %mul3A_570, %dma_wait3A_579, %dma_wait3A_580] : memref<200x128x2x128xf32, #tpu.memory_space<hbm>> -> memref<8x4x2x128xf32, #tpu.memory_space<hbm>>
    %dma_wait3A_582 = tpu.memref_slice %arg9[%dma_wait3A_572] : memref<4x!tpu.dma_semaphore, #tpu.memory_space<semaphore_mem>> -> memref<1x!tpu.dma_semaphore, #tpu.memory_space<semaphore_mem>>
    %dma_wait3A_583 = tpu.memref_squeeze %dma_wait3A_582 : memref<1x!tpu.dma_semaphore, #tpu.memory_space<semaphore_mem>> -> memref<!tpu.dma_semaphore, #tpu.memory_space<semaphore_mem>>
    %dma_wait3A_584 = arith.constant 0 : i32
    %dma_wait3A_585 = arith.constant 0 : i32
    %dma_wait3A_586 = tpu.memref_slice %arg4[%mul3A_568, %mul3A_570, %dma_wait3A_584, %dma_wait3A_585] : memref<200x128x2x128xf32, #tpu.memory_space<hbm>> -> memref<8x4x2x128xf32, #tpu.memory_space<hbm>>
    %dma_wait3A_587 = arith.constant 0 : i32
    %dma_wait3A_588 = arith.constant 0 : i32
    %dma_wait3A_589 = arith.constant 0 : i32
    %dma_wait3A_590 = arith.constant 0 : i32
    %dma_wait3A_591 = tpu.memref_slice %arg7[%dma_wait3A_571, %dma_wait3A_587, %dma_wait3A_588, %dma_wait3A_589, %dma_wait3A_590] : memref<4x8x4x2x128xf32, #tpu.memory_space<vmem>> -> memref<1x8x4x2x128xf32, #tpu.memory_space<vmem>>
    %dma_wait3A_592 = tpu.memref_squeeze %dma_wait3A_591 : memref<1x8x4x2x128xf32, #tpu.memory_space<vmem>> -> memref<8x4x2x128xf32, #tpu.memory_space<vmem>>
    tpu.wait_dma2 semaphore(%dma_wait3A_583 : memref<!tpu.dma_semaphore, #tpu.memory_space<semaphore_mem>>) src(%dma_wait3A_592 : memref<8x4x2x128xf32, #tpu.memory_space<vmem>>) dst(%dma_wait3A_586 : memref<8x4x2x128xf32, #tpu.memory_space<hbm>>)
    %mul3A_593 = arith.constant 25 : i32
    %mul3A_594 = arith.muli %add3A, %mul3A_593 : i32
    %add3A_595 = arith.constant 23 : i32
    %add3A_596 = arith.addi %mul3A_594, %add3A_595 : i32
    %shift_right_logical3A_597 = arith.constant 5 : i32
    %shift_right_logical3A_598 = arith.shrui %add3A_596, %shift_right_logical3A_597 : i32
    %and3A_599 = arith.constant 31 : i32
    %and3A_600 = arith.andi %add3A_596, %and3A_599 : i32
    %mul3A_601 = arith.constant 8 : i32
    %mul3A_602 = arith.muli %mul3A_601, %shift_right_logical3A_598 : i32
    %mul3A_603 = arith.constant 4 : i32
    %mul3A_604 = arith.muli %mul3A_603, %and3A_600 : i32
    %dma_wait3A_605 = arith.constant 3 : i32
    %dma_wait3A_606 = arith.constant 3 : i32
    %dma_wait3A_607 = arith.constant 0 : i32
    %dma_wait3A_608 = arith.constant 0 : i32
    %dma_wait3A_609 = arith.constant 0 : i32
    %dma_wait3A_610 = arith.constant 0 : i32
    %dma_wait3A_611 = tpu.memref_slice %arg7[%dma_wait3A_605, %dma_wait3A_607, %dma_wait3A_608, %dma_wait3A_609, %dma_wait3A_610] : memref<4x8x4x2x128xf32, #tpu.memory_space<vmem>> -> memref<1x8x4x2x128xf32, #tpu.memory_space<vmem>>
    %dma_wait3A_612 = tpu.memref_squeeze %dma_wait3A_611 : memref<1x8x4x2x128xf32, #tpu.memory_space<vmem>> -> memref<8x4x2x128xf32, #tpu.memory_space<vmem>>
    %dma_wait3A_613 = arith.constant 0 : i32
    %dma_wait3A_614 = arith.constant 0 : i32
    %dma_wait3A_615 = tpu.memref_slice %arg4[%mul3A_602, %mul3A_604, %dma_wait3A_613, %dma_wait3A_614] : memref<200x128x2x128xf32, #tpu.memory_space<hbm>> -> memref<8x4x2x128xf32, #tpu.memory_space<hbm>>
    %dma_wait3A_616 = tpu.memref_slice %arg9[%dma_wait3A_606] : memref<4x!tpu.dma_semaphore, #tpu.memory_space<semaphore_mem>> -> memref<1x!tpu.dma_semaphore, #tpu.memory_space<semaphore_mem>>
    %dma_wait3A_617 = tpu.memref_squeeze %dma_wait3A_616 : memref<1x!tpu.dma_semaphore, #tpu.memory_space<semaphore_mem>> -> memref<!tpu.dma_semaphore, #tpu.memory_space<semaphore_mem>>
    %dma_wait3A_618 = arith.constant 0 : i32
    %dma_wait3A_619 = arith.constant 0 : i32
    %dma_wait3A_620 = tpu.memref_slice %arg4[%mul3A_602, %mul3A_604, %dma_wait3A_618, %dma_wait3A_619] : memref<200x128x2x128xf32, #tpu.memory_space<hbm>> -> memref<8x4x2x128xf32, #tpu.memory_space<hbm>>
    %dma_wait3A_621 = arith.constant 0 : i32
    %dma_wait3A_622 = arith.constant 0 : i32
    %dma_wait3A_623 = arith.constant 0 : i32
    %dma_wait3A_624 = arith.constant 0 : i32
    %dma_wait3A_625 = tpu.memref_slice %arg7[%dma_wait3A_605, %dma_wait3A_621, %dma_wait3A_622, %dma_wait3A_623, %dma_wait3A_624] : memref<4x8x4x2x128xf32, #tpu.memory_space<vmem>> -> memref<1x8x4x2x128xf32, #tpu.memory_space<vmem>>
    %dma_wait3A_626 = tpu.memref_squeeze %dma_wait3A_625 : memref<1x8x4x2x128xf32, #tpu.memory_space<vmem>> -> memref<8x4x2x128xf32, #tpu.memory_space<vmem>>
    tpu.wait_dma2 semaphore(%dma_wait3A_617 : memref<!tpu.dma_semaphore, #tpu.memory_space<semaphore_mem>>) src(%dma_wait3A_626 : memref<8x4x2x128xf32, #tpu.memory_space<vmem>>) dst(%dma_wait3A_620 : memref<8x4x2x128xf32, #tpu.memory_space<hbm>>)
    %mul3A_627 = arith.constant 25 : i32
    %mul3A_628 = arith.muli %add3A, %mul3A_627 : i32
    %add3A_629 = arith.constant 24 : i32
    %add3A_630 = arith.addi %mul3A_628, %add3A_629 : i32
    %shift_right_logical3A_631 = arith.constant 5 : i32
    %shift_right_logical3A_632 = arith.shrui %add3A_630, %shift_right_logical3A_631 : i32
    %and3A_633 = arith.constant 31 : i32
    %and3A_634 = arith.andi %add3A_630, %and3A_633 : i32
    %mul3A_635 = arith.constant 8 : i32
    %mul3A_636 = arith.muli %mul3A_635, %shift_right_logical3A_632 : i32
    %mul3A_637 = arith.constant 4 : i32
    %mul3A_638 = arith.muli %mul3A_637, %and3A_634 : i32
    %dma_wait3A_639 = arith.constant 0 : i32
    %dma_wait3A_640 = arith.constant 0 : i32
    %dma_wait3A_641 = arith.constant 0 : i32
    %dma_wait3A_642 = arith.constant 0 : i32
    %dma_wait3A_643 = arith.constant 0 : i32
    %dma_wait3A_644 = arith.constant 0 : i32
    %dma_wait3A_645 = tpu.memref_slice %arg7[%dma_wait3A_639, %dma_wait3A_641, %dma_wait3A_642, %dma_wait3A_643, %dma_wait3A_644] : memref<4x8x4x2x128xf32, #tpu.memory_space<vmem>> -> memref<1x8x4x2x128xf32, #tpu.memory_space<vmem>>
    %dma_wait3A_646 = tpu.memref_squeeze %dma_wait3A_645 : memref<1x8x4x2x128xf32, #tpu.memory_space<vmem>> -> memref<8x4x2x128xf32, #tpu.memory_space<vmem>>
    %dma_wait3A_647 = arith.constant 0 : i32
    %dma_wait3A_648 = arith.constant 0 : i32
    %dma_wait3A_649 = tpu.memref_slice %arg4[%mul3A_636, %mul3A_638, %dma_wait3A_647, %dma_wait3A_648] : memref<200x128x2x128xf32, #tpu.memory_space<hbm>> -> memref<8x4x2x128xf32, #tpu.memory_space<hbm>>
    %dma_wait3A_650 = tpu.memref_slice %arg9[%dma_wait3A_640] : memref<4x!tpu.dma_semaphore, #tpu.memory_space<semaphore_mem>> -> memref<1x!tpu.dma_semaphore, #tpu.memory_space<semaphore_mem>>
    %dma_wait3A_651 = tpu.memref_squeeze %dma_wait3A_650 : memref<1x!tpu.dma_semaphore, #tpu.memory_space<semaphore_mem>> -> memref<!tpu.dma_semaphore, #tpu.memory_space<semaphore_mem>>
    %dma_wait3A_652 = arith.constant 0 : i32
    %dma_wait3A_653 = arith.constant 0 : i32
    %dma_wait3A_654 = tpu.memref_slice %arg4[%mul3A_636, %mul3A_638, %dma_wait3A_652, %dma_wait3A_653] : memref<200x128x2x128xf32, #tpu.memory_space<hbm>> -> memref<8x4x2x128xf32, #tpu.memory_space<hbm>>
    %dma_wait3A_655 = arith.constant 0 : i32
    %dma_wait3A_656 = arith.constant 0 : i32
    %dma_wait3A_657 = arith.constant 0 : i32
    %dma_wait3A_658 = arith.constant 0 : i32
    %dma_wait3A_659 = tpu.memref_slice %arg7[%dma_wait3A_639, %dma_wait3A_655, %dma_wait3A_656, %dma_wait3A_657, %dma_wait3A_658] : memref<4x8x4x2x128xf32, #tpu.memory_space<vmem>> -> memref<1x8x4x2x128xf32, #tpu.memory_space<vmem>>
    %dma_wait3A_660 = tpu.memref_squeeze %dma_wait3A_659 : memref<1x8x4x2x128xf32, #tpu.memory_space<vmem>> -> memref<8x4x2x128xf32, #tpu.memory_space<vmem>>
    tpu.wait_dma2 semaphore(%dma_wait3A_651 : memref<!tpu.dma_semaphore, #tpu.memory_space<semaphore_mem>>) src(%dma_wait3A_660 : memref<8x4x2x128xf32, #tpu.memory_space<vmem>>) dst(%dma_wait3A_654 : memref<8x4x2x128xf32, #tpu.memory_space<hbm>>)
    return
  }
}

</mosaic_0001>

<sc_bundles>
// kernel: kernel.3.cloned.1.call-start
scs
__scs_entry_jumppad:
0x0: {  	(pc) =	sbr.rel $0x88, $3  }
0x1: {  	(tag) =	ssettag $0x0;
	lr =	simm.s32 $0x1  }
0x2: {  	[smem:$0x3F9D] =	sst lr;
	_ =	strace $0xD0000000  }
0x3: {  	_ = 	snop  }
0x4: {  	_ = 	snop  }
0x5: {  	_ = 	snop  }
0x6: {  	_ = 	snop  }
0x7: {  	_ = 	snop  }
__scs_overlays_trampoline_lowered:
0x8: {  	[smem:$0x3FAC] =	sst s0  }
0x9: {  	[smem:$0x3FAD] =	sst s1  }
0xa: {  	[smem:$0x3FAE] =	sst s2  }
0xb: {  	[smem:$0x3FAF] =	sst s3  }
0xc: {  	[smem:$0x3FB0] =	sst s4  }
0xd: {  	[smem:$0x3FB1] =	sst s5  }
0xe: {  	[smem:$0x3FB2] =	sst s6  }
0xf: {  	[smem:$0x3FB3] =	sst s7  }
0x10: {  	[smem:$0x3FB4] =	sst s8  }
0x11: {  	[smem:$0x3FB5] =	sst s9;
	s0 =	simm.s32 @!p0 $0x0  }
0x12: {  	s1 =	sld [smem:$0x3F9B];
	s0 =	simm.s32 @p0 $0x1  }
0x13: {  	[smem:$0x3FB6] =	sst s0;
	s0 =	simm.s32 @!p1 $0x0  }
0x14: {  	s2 =	sld [smem:$0x3F9A];
	s0 =	simm.s32 @p1 $0x1  }
0x15: {  	[smem:$0x3FB7] =	sst s0;
	s0 =	simm.s32 @!p2 $0x0  }
0x16: {  	s3 =	sld [smem:$0x3FDB];
	s0 =	simm.s32 @p2 $0x1  }
0x17: {  	s4 =	simm.s32 $0x1BF5;
	[smem:$0x3FB9] =	sst s0  }
0x18: {  	s0 =	sld [smem:$0x3F9C];
	_ =	swait.ge [sflag:s4], $0x0  }
0x19: {  	s7 =	sld [smem:$0x3F9D]  }
0x1a: {  	s8 =	sadd.s32 $0xFFFFE003, lr  }
0x1b: {  	s9 =	sadd.s32 $0xFFFFFEF7, lr;
	s5 =	simm.s32 $0xFFFFFFFF;
	p2 =	slt.u32 s8, $0xFFFFF086  }
0x1c: {  	p1 =	slt.u32 s9, $0xF7A;
	s5 =	simm.s32 @!p2 $0x0  }
0x1d: {  	s5 =	simm.s32 @p1 $0x1;
	p0 =	seq.s32 s7, s2  }
0x1e: {  	s7 =	smul.u32 @!p0 $0xF7A, s2;
	p2 =	seq.s32 @!p0 s5, $0x0  }
0x1f: {  	s9 =	smul.u32 $0xF7A, s1;
	s8 =	simm.s32 @!p0 $0x1BF5;
	p2 =	por !p2, p0  }
0x20: {  	[sflag:s8] =	ssyncset.s32 @!p0 $0xFFFFF086;
	s6 =	sadd.s32 @!p0 s3, s7;
	s7 =	simm.s32 @!p0 $0x108  }
0x21: {  	s3 =	sadd.s32 s3, s9;
	s6 =	sadd.s32 @!p0 $0x88, s6;
	s7 =	simm.s32 @p2 $0x1082  }
0x22: {  	[simem:s7], [sflag:s8] =	dma.local @!p0 [hbm:s6], $0xF7A  }
0x23: {  	s9 =	sor.u32 $0xD0000000, s2;
	s6 =	simm.s32 $0x108;
	_ =	swait.ge @!p0 [sflag:s8], $0x0  }
0x24: {  	s3 =	sadd.s32 $0x88, s3;
	s6 =	simm.s32 @!p1 $0x1082;
	[sflag:s4] =	ssyncset.s32 $0xFFFFF086  }
0x25: {  	[simem:s6], [sflag:s4] =	dma.local [hbm:s3], $0xF7A  }
0x26: {  	[smem:$0x3F9D] =	sst s1;
	(tag) =	ssettag s2;
	_ =	strace s9  }
0x27: {  	s1 =	sld [smem:$0x3FAD]  }
0x28: {  	s2 =	sld [smem:$0x3FAE]  }
0x29: {  	s4 =	sld [smem:$0x3FB0]  }
0x2a: {  	p0 =	seq.s32 s5, $0x0;
	s5 =	sld [smem:$0x3FB1]  }
0x2b: {  	s6 =	sld [smem:$0x3FB2]  }
0x2c: {  	s7 =	sld [smem:$0x3FB3]  }
0x2d: {  	s3 =	simm.s32 $0x108;
	s8 =	sld [smem:$0x3FB4]  }
0x2e: {  	s3 =	simm.s32 @!p0 $0x1082;
	s9 =	sld [smem:$0x3FB5]  }
0x2f: {  	lr =	sadd.s32 s0, s3;
	s0 =	sld [smem:$0x3FAC]  }
0x30: {  	s3 =	sld [smem:$0x3FAF]  }
0x31: {  	[smem:$0x3FB8] =	sst s10  }
0x32: {  	s10 =	sld [smem:$0x3FB6];
	_ =	sdelay $0x3  }
0x33: {  	p0 =	seq.s32 s10, $0x1;
	s10 =	sld [smem:$0x3FB8];
	_ =	sdelay $0x3  }
0x34: {  	[smem:$0x3FB8] =	sst s10  }
0x35: {  	s10 =	sld [smem:$0x3FB7];
	_ =	sdelay $0x3  }
0x36: {  	p1 =	seq.s32 s10, $0x1;
	s10 =	sld [smem:$0x3FB8];
	_ =	sdelay $0x3  }
0x37: {  	[smem:$0x3FB8] =	sst s10  }
0x38: {  	s10 =	sld [smem:$0x3FB9]  }
0x39: {  	_ = 	snop;
	(pc) =	sbr.ind lr, $3  }
0x3a: {  	_ = 	snop  }
0x3b: {  	_ = 	snop  }
0x3c: {  	p2 =	seq.s32 s10, $0x1;
	s10 =	sld [smem:$0x3FB8]  }
0x3d: {  	_ =	shalt  }
0x3e: {  	_ =	shalt  }
0x3f: {  	_ =	shalt  }
0x40: {  	_ =	shalt  }
0x41: {  	_ =	shalt  }
0x42: {  	_ =	shalt  }
0x43: {  	_ =	shalt  }
0x44: {  	_ =	shalt  }
0x45: {  	_ =	shalt  }
0x46: {  	_ =	shalt  }
0x47: {  	_ =	shalt  }
0x48: {  	_ =	shalt  }
0x49: {  	_ =	shalt  }
0x4a: {  	_ =	shalt  }
0x4b: {  	_ =	shalt  }
0x4c: {  	_ =	shalt  }
0x4d: {  	_ =	shalt  }
0x4e: {  	_ =	shalt  }
0x4f: {  	_ =	shalt  }
0x50: {  	_ =	shalt  }
0x51: {  	_ =	shalt  }
0x52: {  	_ =	shalt  }
0x53: {  	_ =	shalt  }
0x54: {  	_ =	shalt  }
0x55: {  	_ =	shalt  }
0x56: {  	_ =	shalt  }
0x57: {  	_ =	shalt  }
0x58: {  	_ =	shalt  }
0x59: {  	_ =	shalt  }
0x5a: {  	_ =	shalt  }
0x5b: {  	_ =	shalt  }
0x5c: {  	_ =	shalt  }
0x5d: {  	_ =	shalt  }
0x5e: {  	_ =	shalt  }
0x5f: {  	_ =	shalt  }
0x60: {  	_ =	shalt  }
0x61: {  	_ =	shalt  }
0x62: {  	_ =	shalt  }
0x63: {  	_ =	shalt  }
0x64: {  	_ =	shalt  }
0x65: {  	_ =	shalt  }
0x66: {  	_ =	shalt  }
0x67: {  	_ =	shalt  }
0x68: {  	_ =	shalt  }
0x69: {  	_ =	shalt  }
0x6a: {  	_ =	shalt  }
0x6b: {  	_ =	shalt  }
0x6c: {  	_ =	shalt  }
0x6d: {  	_ =	shalt  }
0x6e: {  	_ =	shalt  }
0x6f: {  	_ =	shalt  }
0x70: {  	_ =	shalt  }
0x71: {  	_ =	shalt  }
0x72: {  	_ =	shalt  }
0x73: {  	_ =	shalt  }
0x74: {  	_ =	shalt  }
0x75: {  	_ =	shalt  }
0x76: {  	_ =	shalt  }
0x77: {  	_ =	shalt  }
0x78: {  	_ =	shalt  }
0x79: {  	_ =	shalt  }
0x7a: {  	_ =	shalt  }
0x7b: {  	_ =	shalt  }
0x7c: {  	_ =	shalt  }
0x7d: {  	_ =	shalt  }
0x7e: {  	_ =	shalt  }
0x7f: {  	_ =	shalt  }
0x80: {  	_ =	shalt  }
0x81: {  	_ =	shalt  }
0x82: {  	_ =	shalt  }
0x83: {  	_ =	shalt  }
0x84: {  	_ =	shalt  }
0x85: {  	_ =	shalt  }
0x86: {  	_ =	shalt  }
0x87: {  	_ =	shalt  }
.Lfunc_end0:
.L_simem_size_0:
called_computation_lowered:
.L_overlay_start_0:
0x88: {  	s2 =	sld [smem:$0x3FD9]  }
0x89: {  	s3 =	sld [smem:$0x3FFE];
	_ =	sdelay $0x1  }
0x8a: {  	s1 =	srdreg.scid  }
0x8b: {  	s0 =	sand.u32 $0x1, s1  }
0x8c: {  	s17 =	sshll.u32 s0, $0xA;
	s2 =	sadd.s32 s3, s2  }
0x8d: {  	s2 =	sadd.s32 s2, s17  }
0x8e: {  	[smem:$0x3FC4] =	sst s2  }
0x8f: {  	_ = 	snop  }
0x90: {  	s2 =	sld [smem:$0x3FC9]  }
0x91: {  	s18 =	sld [smem:$0x3FD0];
	(tm) =	ssettm $0x1  }
0x92: {  	s4 =	sld [smem:$0x3FFB];
	_ =	sdelay $0x3  }
0x93: {  	_ =	strace s4  }
0x94: {  	s4 =	sld [smem:$0x3FFC];
	_ =	sdelay $0x3  }
0x95: {  	_ =	strace s4  }
0x96: {  	s4 =	sld [smem:$0x3FFD];
	_ =	sdelay $0x3  }
0x97: {  	_ =	strace s4  }
0x98: {  	_ =	strace $0x8FFFFFFF  }
0x99: {  	s19 =	sld [smem:$0x3FDB];
	_ =	sdelay $0x1  }
0x9a: {  	s5 =	simm.s32 $_scs_section_size  }
0x9b: {  	s6 =	simm.s32 $_size__tile_overlayer_lowered;
	s7 =	simm.s32 $_tile_overlayer_lowered  }
0x9c: {  	s22 =	simm.s32 $0x1BFF;
	s21 =	sshll.u32 s7, $0x1;
	s4 =	sadd.s32 s5, s19  }
0x9d: {  	s8 =	simm.s32 $0x0;
	s20 =	sshll.u32 s6, $0x1;
	s6 =	sadd.s32 s21, s4  }
0x9e: {  	[timem:s8], [sflag:s22] =	dma.local [hbm:s6], s20  }
0x9f: {  	_ =	swait.ge [sflag:s22], s20  }
0xa0: {  	s5 =	ssub.s32 $0x0, s20;
	[sflag:s22] =	ssyncset.done $0x0  }
0xa1: {  	[sflag:s22] =	ssyncadd.s32 s5;
	_ =	sdelay $0x1  }
0xa2: {  	s23 =	simm.s32 $0x1B8B  }
0xa3: {  	_ =	swait.ge [sflag:s23], $0x1  }
0xa4: {  	[sflag:s23] =	ssyncset.done $0x0  }
0xa5: {  	s25 =	simm.s32 $0x1B8E;
	s24 =	sld [smem:$0x3FFE];
	[sflag:s23] =	ssyncadd.s32 $0xFFFFFFFF  }
0xa6: {  	s26 =	simm.s32 $execute0_lowered;
	[smem:$0x3FD2] =	sst s25  }
0xa7: {  	s6 =	sshll.u32 s26, $0x1;
	_ =	strace $0x80000046;
	[dreg:$0x1] =	wrdreg $0xFFFFFFFF  }
0xa8: {  	s28 =	simm.s32 $_size_execute0_lowered;
	s4 =	sadd.s32 s4, s6;
	[dreg:$0x0] =	wrdreg $0x0  }
0xa9: {  	s6 =	sshll.u32 s28, $0x1;
	[dreg:$0x2] =	wrdreg s4  }
0xaa: {  	[dreg:$0x3] =	wrdreg s6  }
0xab: {  	[dreg:$0x4] =	wrdreg $0xC0  }
0xac: {  	_ =	task [dreg:s8], $0x5FFFF  }
0xad: {  	[dreg:$0x1] =	wrdreg $0xFFFFFFFF  }
0xae: {  	[dreg:$0x0] =	wrdreg $0x60  }
0xaf: {  	[dreg:$0x2] =	wrdreg s24  }
0xb0: {  	[dreg:$0x3] =	wrdreg s2  }
0xb1: {  	[dreg:$0x4] =	wrdreg s18  }
0xb2: {  	[dreg:$0x5] =	wrdreg $0x9  }
0xb3: {  	_ =	task.clear_ibuf [dreg:s8], $0x6FFFF;
	_ =	strace $0x90000046  }
0xb4: {  	s29 =	simm.s32 $0x9;
	_ =	strace $0x80000048  }
0xb5: {  	_ =	swait.ge [sflag:s29], $0x1  }
0xb6: {  	[sflag:s29] =	ssyncadd.s32 $0xFFFFFFFF  }
0xb7: {  	_ =	strace $0x90000048  }
0xb8: {  	_ =	sfence  }
0xb9: {  	s30 =	sld [smem:$0x0];
	_ =	sdelay $0x2  }
0xba: {  	s31 =	sshll.u32 s1, $0xD;
	s1 =	sshrl.u32 s1, $0x2  }
0xbb: {  	s3 =	sand.u32 $0x4000, s31;
	s1 =	sadd.s32 s1, s30  }
0xbc: {  	s0 =	sor.u32 s3, s0;
	s1 =	sshll.u32 s1, $0x11  }
0xbd: {  	s0 =	sor.u32 s1, s0  }
0xbe: {  	s0 =	sadd.s32 $0x8F2B, s0  }
0xbf: {  	[sflag:s0] =	ssyncadd.remote.s32 $0x1  }
0xc0: {  	_ =	sfence.sel $0xFFFF  }
0xc1: {  	[dreg:$0x0] =	wrdreg $0xFFFFFFFF;
	(pc) =	sbr.abs _section_cstart, $3  }
0xc2: {  	[dreg:$0x1] =	wrdreg $0xFFFFFFFF  }
0xc3: {  	_ =	task.clear_ibuf [dreg:s8], $0x2FFFF;
	_ =	strace $0x9FFFFFFF  }
0xc4: {  	(tm) =	ssettm $0x7FFFFFFF  }
0xc5: {  	_ =	shalt  }
tec
execute0_lowered:
.L_overlay_start_1:
0x0: {  	(tag) =	ssettag $0x1  }
0x1: {  	s0 =	rddreg [dreg:$0x0]  }
0x2: {  	s2 =	rddreg [dreg:$0x1];
	s1 =	srdreg.scid  }
0x3: {  	s4 =	stileid.u32;
	s3 =	rddreg [dreg:$0x2]  }
0x4: {  	s11 =	simm.s32 $0x9;
	s15 =	simm.s32 $0x400;
	s16 =	simm.s32 $0x8000  }
0x5: {  	s17 =	simm.s32 $0x6;
	s18 =	simm.s32 $0x7;
	s19 =	simm.s32 $0x8  }
0x6: {  	s20 =	simm.s32 $0x5;
	s1 =	sand.u32 $0x1, s1;
	s5 =	sshll.u32 s4, $0x1  }
0x7: {  	s21 =	simm.s32 $0x0;
	s4 =	simm.s32 $0x0;
	s6 =	sor.u32 s1, s5  }
0x8: {  	[smem:$0x7FF] =	sst s4;
	s30 =	ssub.s32 $0x2, s1;
	s7 =	smul.u32 $0x19000, s6  }
0x9: {  	s5 =	sadd.s32 $0xA00, s0;
	_ =	strace $0x80000047;
	s1 =	sshrl.u32 s30, $0x1  }
0xa: {  	s8 =	smul.u32 $0x3200, s6;
	s0 =	ssub.s32 s30, s1;
	s7 =	sshrl.u32 s7, $0x3  }
0xb: {  	s6 =	smul.u32 $0x19, s6;
	s10 =	smax.u32 s0, $0x1;
	s31 =	sadd.s32 s2, s7  }
0xc: {  	v0 =	vlaneseq.u32;
	vm0 =	vmmov $0x3;
	s7 =	sadd.s32 s2, s8;
	s8 =	sadd.s32 $0x200, s31;
	s9 =	sadd.s32 $0x400, s31  }
.LBB2_1:
0xd: {  	[tilespmem:s4], [sflag:$0x9] =	stream.linear.gather [hbm4b:s5+s4], $0x200, $0x38;
	[tilespmem:$0xC200] =	vst v63  }
0xe: {  	_ =	swait.ge [sflag:s11], $0x200  }
0xf: {  	[sflag:s11] =	ssyncset.done $0x0  }
0x10: {  	[sflag:s11] =	ssyncadd.s32 $0xFFFFFE00  }
0x11: {  	v1 =	vld [tilespmem:$0x0]  }
0x12: {  	v2 =	vld [tilespmem:$0x80]  }
0x13: {  	v3 =	vld [tilespmem:$0x100];
	_ =	sdelay $0x3  }
0x14: {  	v2 =	vmul.f32 v2, v1  }
0x15: {  	v1 =	vmul.f32 v3, v1  }
0x16: {  	(v2sf) =	vpush v2, $0x0  }
0x17: {  	(v2sf) =	vpush v1, $0x0  }
0x18: {  	(v2sf) =	vpush v2, $0x1  }
0x19: {  	(v2sf) =	vpush v1, $0x1  }
0x1a: {  	(v2sf) =	vpush v2, $0x2  }
0x1b: {  	(v2sf) =	vpush v1, $0x2  }
0x1c: {  	(v2sf) =	vpush v2, $0x3  }
0x1d: {  	(v2sf) =	vpush v1, $0x3  }
0x1e: {  	(v2sf) =	vpush v2, $0x4  }
0x1f: {  	(v2sf) =	vpush v1, $0x4  }
0x20: {  	(v2sf) =	vpush v2, $0x5  }
0x21: {  	(v2sf) =	vpush v1, $0x5  }
0x22: {  	(v2sf) =	vpush v2, $0x6  }
0x23: {  	(v2sf) =	vpush v1, $0x6  }
0x24: {  	(v2sf) =	vpush v2, $0x7  }
0x25: {  	s0 =	spop (v2sf);
	(v2sf) =	vpush v1, $0x7  }
0x26: {  	s0 =	sadd.f32 $0.0e+00, s0;
	s1 =	spop (v2sf);
	(v2sf) =	vpush v2, $0x8  }
0x27: {  	s1 =	sadd.f32 $0.0e+00, s1;
	s22 =	spop (v2sf);
	(v2sf) =	vpush v1, $0x8  }
0x28: {  	s0 =	sadd.f32 s0, s22;
	s13 =	spop (v2sf);
	(v2sf) =	vpush v2, $0x9  }
0x29: {  	s1 =	sadd.f32 s1, s13;
	s14 =	spop (v2sf);
	(v2sf) =	vpush v1, $0x9  }
0x2a: {  	s0 =	sadd.f32 s0, s14;
	s23 =	spop (v2sf);
	(v2sf) =	vpush v2, $0xA  }
0x2b: {  	s1 =	sadd.f32 s1, s23;
	s24 =	spop (v2sf);
	(v2sf) =	vpush v1, $0xA  }
0x2c: {  	s0 =	sadd.f32 s0, s24;
	s25 =	spop (v2sf);
	(v2sf) =	vpush v2, $0xB  }
0x2d: {  	s1 =	sadd.f32 s1, s25;
	s26 =	spop (v2sf);
	(v2sf) =	vpush v1, $0xB  }
0x2e: {  	v4 =	vld [tilespmem:$0x90];
	s0 =	sadd.f32 s0, s26;
	s28 =	spop (v2sf);
	(v2sf) =	vpush v2, $0xC  }
0x2f: {  	v3 =	vld [tilespmem:$0x10];
	s1 =	sadd.f32 s1, s28;
	s29 =	spop (v2sf);
	(v2sf) =	vpush v1, $0xC  }
0x30: {  	v5 =	vld [tilespmem:$0x110];
	s0 =	sadd.f32 s0, s29;
	s30 =	spop (v2sf);
	(v2sf) =	vpush v2, $0xD  }
0x31: {  	s1 =	sadd.f32 s1, s30;
	s31 =	spop (v2sf);
	(v2sf) =	vpush v1, $0xD  }
0x32: {  	s0 =	sadd.f32 s0, s31;
	s12 =	spop (v2sf);
	(v2sf) =	vpush v2, $0xE  }
0x33: {  	s1 =	sadd.f32 s1, s12;
	s13 =	spop (v2sf);
	(v2sf) =	vpush v1, $0xE  }
0x34: {  	v4 =	vmul.f32 v4, v3;
	s0 =	sadd.f32 s0, s13;
	s14 =	spop (v2sf);
	(v2sf) =	vpush v2, $0xF  }
0x35: {  	v2 =	vmul.f32 v5, v3;
	s1 =	sadd.f32 s1, s14;
	s23 =	spop (v2sf);
	(v2sf) =	vpush v1, $0xF  }
0x36: {  	s0 =	sadd.f32 s0, s23;
	s24 =	spop (v2sf);
	(v2sf) =	vpush v4, $0x0  }
0x37: {  	s1 =	sadd.f32 s1, s24;
	s25 =	spop (v2sf);
	(v2sf) =	vpush v2, $0x0  }
0x38: {  	s0 =	sadd.f32 s0, s25;
	s26 =	spop (v2sf);
	(v2sf) =	vpush v4, $0x1  }
0x39: {  	s1 =	sadd.f32 s1, s26;
	s28 =	spop (v2sf);
	(v2sf) =	vpush v2, $0x1  }
0x3a: {  	s0 =	sadd.f32 s0, s28;
	s29 =	spop (v2sf);
	(v2sf) =	vpush v4, $0x2  }
0x3b: {  	s1 =	sadd.f32 s1, s29;
	s30 =	spop (v2sf);
	(v2sf) =	vpush v2, $0x2  }
0x3c: {  	s0 =	sadd.f32 s0, s30;
	s31 =	spop (v2sf);
	(v2sf) =	vpush v4, $0x3  }
0x3d: {  	s1 =	sadd.f32 s1, s31;
	s12 =	spop (v2sf);
	(v2sf) =	vpush v2, $0x3  }
0x3e: {  	s0 =	sadd.f32 s0, s12;
	s13 =	spop (v2sf);
	(v2sf) =	vpush v4, $0x4  }
0x3f: {  	s1 =	sadd.f32 s1, s13;
	s14 =	spop (v2sf);
	(v2sf) =	vpush v2, $0x4  }
0x40: {  	s0 =	sadd.f32 s0, s14;
	s23 =	spop (v2sf);
	(v2sf) =	vpush v4, $0x5  }
0x41: {  	s1 =	sadd.f32 s1, s23;
	s24 =	spop (v2sf);
	(v2sf) =	vpush v2, $0x5  }
0x42: {  	s0 =	sadd.f32 s0, s24;
	s25 =	spop (v2sf);
	(v2sf) =	vpush v4, $0x6  }
0x43: {  	s1 =	sadd.f32 s1, s25;
	s26 =	spop (v2sf);
	(v2sf) =	vpush v2, $0x6  }
0x44: {  	s0 =	sadd.f32 s0, s26;
	s28 =	spop (v2sf);
	(v2sf) =	vpush v4, $0x7  }
0x45: {  	s1 =	sadd.f32 s1, s28;
	s29 =	spop (v2sf);
	(v2sf) =	vpush v2, $0x7  }
0x46: {  	s0 =	sadd.f32 s0, s29;
	s30 =	spop (v2sf);
	(v2sf) =	vpush v4, $0x8  }
0x47: {  	s1 =	sadd.f32 s1, s30;
	s31 =	spop (v2sf);
	(v2sf) =	vpush v2, $0x8  }
0x48: {  	s0 =	sadd.f32 s0, s31;
	s12 =	spop (v2sf);
	(v2sf) =	vpush v4, $0x9  }
0x49: {  	s1 =	sadd.f32 s1, s12;
	s13 =	spop (v2sf);
	(v2sf) =	vpush v2, $0x9  }
0x4a: {  	s0 =	sadd.f32 s0, s13;
	s14 =	spop (v2sf);
	(v2sf) =	vpush v4, $0xA  }
0x4b: {  	s1 =	sadd.f32 s1, s14;
	s23 =	spop (v2sf);
	(v2sf) =	vpush v2, $0xA  }
0x4c: {  	s0 =	sadd.f32 s0, s23;
	s24 =	spop (v2sf);
	(v2sf) =	vpush v4, $0xB  }
0x4d: {  	s1 =	sadd.f32 s1, s24;
	s25 =	spop (v2sf);
	(v2sf) =	vpush v2, $0xB  }
0x4e: {  	v3 =	vld [tilespmem:$0xA0];
	s0 =	sadd.f32 s0, s25;
	s26 =	spop (v2sf);
	(v2sf) =	vpush v4, $0xC  }
0x4f: {  	v1 =	vld [tilespmem:$0x20];
	s1 =	sadd.f32 s1, s26;
	s28 =	spop (v2sf);
	(v2sf) =	vpush v2, $0xC  }
0x50: {  	v5 =	vld [tilespmem:$0x120];
	s0 =	sadd.f32 s0, s28;
	s29 =	spop (v2sf);
	(v2sf) =	vpush v4, $0xD  }
0x51: {  	s1 =	sadd.f32 s1, s29;
	s30 =	spop (v2sf);
	(v2sf) =	vpush v2, $0xD  }
0x52: {  	s0 =	sadd.f32 s0, s30;
	s31 =	spop (v2sf);
	(v2sf) =	vpush v4, $0xE  }
0x53: {  	s1 =	sadd.f32 s1, s31;
	s12 =	spop (v2sf);
	(v2sf) =	vpush v2, $0xE  }
0x54: {  	v3 =	vmul.f32 v3, v1;
	s0 =	sadd.f32 s0, s12;
	s13 =	spop (v2sf);
	(v2sf) =	vpush v4, $0xF  }
0x55: {  	v1 =	vmul.f32 v5, v1;
	s1 =	sadd.f32 s1, s13;
	s14 =	spop (v2sf);
	(v2sf) =	vpush v2, $0xF  }
0x56: {  	s0 =	sadd.f32 s0, s14;
	s23 =	spop (v2sf);
	(v2sf) =	vpush v3, $0x0  }
0x57: {  	s1 =	sadd.f32 s1, s23;
	s24 =	spop (v2sf);
	(v2sf) =	vpush v1, $0x0  }
0x58: {  	s0 =	sadd.f32 s0, s24;
	s25 =	spop (v2sf);
	(v2sf) =	vpush v3, $0x1  }
0x59: {  	s1 =	sadd.f32 s1, s25;
	s26 =	spop (v2sf);
	(v2sf) =	vpush v1, $0x1  }
0x5a: {  	s0 =	sadd.f32 s0, s26;
	s28 =	spop (v2sf);
	(v2sf) =	vpush v3, $0x2  }
0x5b: {  	s1 =	sadd.f32 s1, s28;
	s29 =	spop (v2sf);
	(v2sf) =	vpush v1, $0x2  }
0x5c: {  	s0 =	sadd.f32 s0, s29;
	s30 =	spop (v2sf);
	(v2sf) =	vpush v3, $0x3  }
0x5d: {  	s1 =	sadd.f32 s1, s30;
	s31 =	spop (v2sf);
	(v2sf) =	vpush v1, $0x3  }
0x5e: {  	s0 =	sadd.f32 s0, s31;
	s12 =	spop (v2sf);
	(v2sf) =	vpush v3, $0x4  }
0x5f: {  	s1 =	sadd.f32 s1, s12;
	s13 =	spop (v2sf);
	(v2sf) =	vpush v1, $0x4  }
0x60: {  	s0 =	sadd.f32 s0, s13;
	s14 =	spop (v2sf);
	(v2sf) =	vpush v3, $0x5  }
0x61: {  	s1 =	sadd.f32 s1, s14;
	s23 =	spop (v2sf);
	(v2sf) =	vpush v1, $0x5  }
0x62: {  	s0 =	sadd.f32 s0, s23;
	s24 =	spop (v2sf);
	(v2sf) =	vpush v3, $0x6  }
0x63: {  	s1 =	sadd.f32 s1, s24;
	s25 =	spop (v2sf);
	(v2sf) =	vpush v1, $0x6  }
0x64: {  	s0 =	sadd.f32 s0, s25;
	s26 =	spop (v2sf);
	(v2sf) =	vpush v3, $0x7  }
0x65: {  	s1 =	sadd.f32 s1, s26;
	s28 =	spop (v2sf);
	(v2sf) =	vpush v1, $0x7  }
0x66: {  	s0 =	sadd.f32 s0, s28;
	s29 =	spop (v2sf);
	(v2sf) =	vpush v3, $0x8  }
0x67: {  	s1 =	sadd.f32 s1, s29;
	s30 =	spop (v2sf);
	(v2sf) =	vpush v1, $0x8  }
0x68: {  	s0 =	sadd.f32 s0, s30;
	s31 =	spop (v2sf);
	(v2sf) =	vpush v3, $0x9  }
0x69: {  	s1 =	sadd.f32 s1, s31;
	s12 =	spop (v2sf);
	(v2sf) =	vpush v1, $0x9  }
0x6a: {  	s0 =	sadd.f32 s0, s12;
	s13 =	spop (v2sf);
	(v2sf) =	vpush v3, $0xA  }
0x6b: {  	s1 =	sadd.f32 s1, s13;
	s14 =	spop (v2sf);
	(v2sf) =	vpush v1, $0xA  }
0x6c: {  	s0 =	sadd.f32 s0, s14;
	s23 =	spop (v2sf);
	(v2sf) =	vpush v3, $0xB  }
0x6d: {  	s1 =	sadd.f32 s1, s23;
	s24 =	spop (v2sf);
	(v2sf) =	vpush v1, $0xB  }
0x6e: {  	v4 =	vld [tilespmem:$0xB0];
	s0 =	sadd.f32 s0, s24;
	s25 =	spop (v2sf);
	(v2sf) =	vpush v3, $0xC  }
0x6f: {  	v2 =	vld [tilespmem:$0x30];
	s1 =	sadd.f32 s1, s25;
	s26 =	spop (v2sf);
	(v2sf) =	vpush v1, $0xC  }
0x70: {  	v5 =	vld [tilespmem:$0x130];
	s0 =	sadd.f32 s0, s26;
	s28 =	spop (v2sf);
	(v2sf) =	vpush v3, $0xD  }
0x71: {  	s1 =	sadd.f32 s1, s28;
	s29 =	spop (v2sf);
	(v2sf) =	vpush v1, $0xD  }
0x72: {  	s0 =	sadd.f32 s0, s29;
	s30 =	spop (v2sf);
	(v2sf) =	vpush v3, $0xE  }
0x73: {  	s1 =	sadd.f32 s1, s30;
	s31 =	spop (v2sf);
	(v2sf) =	vpush v1, $0xE  }
0x74: {  	v4 =	vmul.f32 v4, v2;
	s0 =	sadd.f32 s0, s31;
	s12 =	spop (v2sf);
	(v2sf) =	vpush v3, $0xF  }
0x75: {  	v2 =	vmul.f32 v5, v2;
	s1 =	sadd.f32 s1, s12;
	s13 =	spop (v2sf);
	(v2sf) =	vpush v1, $0xF;
	v1 =	vld [tilespmem:$0x180]  }
0x76: {  	s0 =	sadd.f32 s0, s13;
	s14 =	spop (v2sf);
	(v2sf) =	vpush v4, $0x0  }
0x77: {  	s1 =	sadd.f32 s1, s14;
	s23 =	spop (v2sf);
	(v2sf) =	vpush v2, $0x0  }
0x78: {  	s0 =	sadd.f32 s0, s23;
	s24 =	spop (v2sf);
	(v2sf) =	vpush v4, $0x1  }
0x79: {  	s1 =	sadd.f32 s1, s24;
	s25 =	spop (v2sf);
	(v2sf) =	vpush v2, $0x1  }
0x7a: {  	s0 =	sadd.f32 s0, s25;
	s26 =	spop (v2sf);
	(v2sf) =	vpush v1, $0x0  }
0x7b: {  	s1 =	sadd.f32 s1, s26;
	s28 =	spop (v2sf);
	(v2sf) =	vpush v1, $0x1  }
0x7c: {  	s23 =	spop (v2sf);
	s0 =	sadd.f32 s0, s28  }
0x7d: {  	s29 =	spop (v2sf);
	s1 =	sadd.f32 s1, s23  }
0x7e: {  	s30 =	spop (v2sf);
	s0 =	sadd.f32 s0, s29  }
0x7f: {  	s31 =	spop (v2sf);
	s1 =	sadd.f32 s1, s30  }
0x80: {  	s12 =	spop (v2sf);
	s0 =	sadd.f32 s0, s31  }
0x81: {  	s13 =	spop (v2sf);
	s1 =	sadd.f32 s1, s12  }
0x82: {  	s14 =	spop (v2sf);
	s0 =	sadd.f32 s0, s13  }
0x83: {  	s24 =	spop (v2sf);
	s1 =	sadd.f32 s1, s14  }
0x84: {  	s25 =	spop (v2sf);
	s0 =	sadd.f32 s0, s24  }
0x85: {  	s26 =	spop (v2sf);
	s1 =	sadd.f32 s1, s25  }
0x86: {  	s28 =	spop (v2sf);
	s0 =	sadd.f32 s0, s26  }
0x87: {  	s1 =	sadd.f32 s1, s28;
	s29 =	spop (v2sf)  }
0x88: {  	s0 =	sadd.f32 s0, s29;
	s30 =	spop (v2sf)  }
0x89: {  	s1 =	sadd.f32 s1, s30;
	s31 =	spop (v2sf)  }
0x8a: {  	s12 =	spop (v2sf);
	s0 =	sadd.f32 s0, s31  }
0x8b: {  	s1 =	sadd.f32 s1, s12;
	_ =	sdelay $0x1  }
0x8c: {  	s24 =	smax.f32 s0, s1  }
0x8d: {  	s25 =	smax.f32 s31, s12;
	s1 =	ssub.f32 s1, s24  }
0x8e: {  	s22 =	ssub.f32 s31, s25  }
0x8f: {  	vm1 =	veq.s32 v0, $0x0;
	s23 =	ssub.f32 s12, s25;
	v1 =	vmov s1  }
0x90: {  	s0 =	ssub.f32 s0, s24;
	v1 =	vsel vm1, s22, v1;
	vm1 =	veq.s32 v0, $0x1  }
0x91: {  	v1 =	vsel vm1, s23, v1;
	vm1 =	veq.s32 v0, $0x2  }
0x92: {  	v1 =	vsel vm1, s0, v1  }
0x93: {  	v1 =	vmul.f32 $1.442695020e+00, v1;
	_ =	sdelay $0x1  }
0x94: {  	(erf) = vpow2.f32 v1;
	_ =	sdelay $0x8  }
0x95: {  	v1 =	vpop (erf)  }
0x96: {  	(v2sf) =	vpush v1, $0x0  }
0x97: {  	(v2sf) =	vpush v1, $0x1  }
0x98: {  	(v2sf) =	vpush v1, $0x2  }
0x99: {  	(v2sf) =	vpush v1, $0x3;
	_ =	sdelay $0xb  }
0x9a: {  	s13 =	spop (v2sf)  }
0x9b: {  	s14 =	spop (v2sf)  }
0x9c: {  	s23 =	spop (v2sf)  }
0x9d: {  	s24 =	spop (v2sf)  }
0x9e: {  	s22 =	sadd.f32 s24, s23  }
0x9f: {  	s0 =	sadd.f32 s14, s13  }
0xa0: {  	v2 =	vmov s22  }
0xa1: {  	v2 =	vsel vm0, s0, v2  }
0xa2: {  	(erf) = vrcp.f32 v2;
	_ =	sdelay $0x8  }
0xa3: {  	v2 =	vpop (erf)  }
0xa4: {  	v2 =	vmul.f32 v2, v1;
	_ =	sdelay $0x1  }
0xa5: {  	(v2sf) =	vpush v2, $0x0  }
0xa6: {  	(v2sf) =	vpush v2, $0x1  }
0xa7: {  	(v2sf) =	vpush v2, $0x2  }
0xa8: {  	(v2sf) =	vpush v2, $0x3;
	_ =	sdelay $0x7  }
0xa9: {  	s12 =	simm.s32 $0x200  }
0xaa: {  	[tilespmem:s12], [sflag:$0x1] =	stream.linear.gather [hbm4b:s7+s4], $0x1000, $0x38;
	[tilespmem:$0xC200] =	vst v63  }
0xab: {  	s30 =	simm.s32 $0x1200  }
0xac: {  	[tilespmem:s30], [sflag:$0x2] =	stream.linear.gather [hbm4b:s8+s4], $0x1000, $0x38;
	[tilespmem:$0xC200] =	vst v63  }
0xad: {  	s25 =	spop (v2sf)  }
0xae: {  	s26 =	spop (v2sf)  }
0xaf: {  	s28 =	spop (v2sf)  }
0xb0: {  	s0 =	ssub.f32 s28, s25;
	s29 =	spop (v2sf)  }
0xb1: {  	s31 =	simm.s32 $0x2200;
	s1 =	ssub.f32 s29, s26  }
0xb2: {  	[tilespmem:s31], [sflag:$0x3] =	stream.linear.gather [hbm4b:s9+s4], $0x1000, $0x38;
	v1 =	vbroadcast v2, $0x0;
	[tilespmem:$0xC200] =	vst v63  }
0xb3: {  	s22 =	simm.s32 $0x0;
	v2 =	vbroadcast v2, $0x1;
	v3 =	vmov s0;
	v4 =	vmov s1  }
.LBB2_2:
0xb4: {  	s0 =	sand.u32 $0x3, s22  }
0xb5: {  	p0 =	sgt.u32 s22, $0x15;
	s31 =	simm.s32 $0x0;
	s1 =	sadd.s32 $0x1, s0  }
0xb6: {  	s23 =	sadd.s32 @!p0 $0x3, s22;
	p1 =	slt.u32 @!p0 s22, $0x4;
	s29 =	sshll.u32 s0, $0xC  }
0xb7: {  	_ =	swait.ge [sflag:s1], $0x1000;
	s24 =	sadd.s32 @!p0 s6, s23;
	s23 =	sand.u32 @!p0 $0x3, s23  }
0xb8: {  	[sflag:s1] =	ssyncset.done $0x0;
	s24 =	sshll.u32 @!p0 s24, $0x9;
	s25 =	sshll.u32 @!p0 s23, $0xC  }
0xb9: {  	s23 =	sadd.s32 @!p0 $0x1, s23;
	[sflag:s1] =	ssyncadd.s32 $0xFFFFF000;
	s1 =	sand.u32 @!p0 $0xFFFFE00, s24  }
0xba: {  	s24 =	sor.u32 @!p0 $0x200, s25;
	s25 =	simm.s32 @!p0 $0x0;
	s1 =	sadd.s32 @!p0 s2, s1  }
0xbb: {  	v6 =	vmov s29;
	[tilespmem:s24], [sflag:s23] =	stream.linear.gather @!p0 [hbm4b:s1+s25], $0x1000, $0x38;
	[tilespmem:$0xC200] =	vst v63  }
0xbc: {  	p0 =	por p0, !p1;
	s23 =	sadd.s32 $0x5, s0;
	s25 =	simm.s32 $0x0  }
0xbd: {  	s1 =	sand.u32 $0x3FFFFC00, s31;
	_ =	swait.ge @p0 [sflag:s23], $0x2000;
	s26 =	sand.u32 $0x6, s25  }
0xbe: {  	s1 =	sor.u32 $0x200, s1;
	[sflag:s23] =	ssyncset.done @p0 $0x0;
	s12 =	sshll.u32 s26, $0x7  }
0xbf: {  	[sflag:s23] =	ssyncadd.s32 @p0 $0xFFFFE000;
	s28 =	sadd.s32 s12, s1  }
0xc0: {  	v5 =	vld.idx.msk [tilespmem:v6+s28+$0x0 ss:$0x1], $0xffff;
	_ =	sdelay $0x1  }
0xc1: {  	v7 =	vld.idx.msk [tilespmem:v6+s28+$0x10 ss:$0x1], $0xffff;
	_ =	sdelay $0x1  }
0xc2: {  	v8 =	vld.idx.msk [tilespmem:v6+s28+$0x20 ss:$0x1], $0xffff  }
0xc3: {  	s24 =	sshll.u32 s0, $0xD;
	v9 =	vcvt.s32.f32 v5  }
0xc4: {  	v10 =	vld.idx.msk [tilespmem:v6+s28+$0x30 ss:$0x1], $0xffff;
	v5 =	vmov s24  }
0xc5: {  	v11 =	vld.idx.msk [tilespmem:v6+s28+$0x70 ss:$0x1], $0xffff;
	v7 =	vcvt.s32.f32 v7;
	v12 =	vmul.f32 v9, v3  }
0xc6: {  	s13 =	simm.s32 $0x0;
	v13 =	vld.idx.msk [tilespmem:v6+s28+$0x40 ss:$0x1], $0xffff;
	v9 =	vmul.f32 v9, v4  }
0xc7: {  	s0 =	sand.u32 $0xFFFFFF00, s13;
	s29 =	sshll.u32 s26, $0xA;
	v15 =	vld.idx.msk [tilespmem:v6+s28+$0x50 ss:$0x1], $0xffff;
	v8 =	vcvt.s32.f32 v8;
	v14 =	vmul.f32 v7, v3;
	v12 =	vadd.f32 v12, v1  }
0xc8: {  	v16 =	vld.idx.msk [tilespmem:v6+s28+$0x60 ss:$0x1], $0xffff;
	s28 =	sadd.s32 s0, s29;
	v7 =	vmul.f32 v7, v4;
	v9 =	vadd.f32 v9, v2  }
0xc9: {  	v10 =	vcvt.s32.f32 v10;
	v17 =	vmul.f32 v8, v3;
	v14 =	vadd.f32 v14, v1;
	[tilespmem:v5+s28+$0x4200 ss:$0x1] =	vst.idx.msk $0xffff, v12  }
0xca: {  	v8 =	vmul.f32 v8, v4;
	v7 =	vadd.f32 v7, v2;
	[tilespmem:v5+s28+$0x4280 ss:$0x1] =	vst.idx.msk $0xffff, v9  }
0xcb: {  	v12 =	vadd.f32 v17, v1;
	v9 =	vcvt.s32.f32 v13;
	v13 =	vmul.f32 v10, v3;
	[tilespmem:v5+s28+$0x4210 ss:$0x1] =	vst.idx.msk $0xffff, v14  }
0xcc: {  	v8 =	vadd.f32 v8, v2;
	v10 =	vmul.f32 v10, v4;
	[tilespmem:v5+s28+$0x4290 ss:$0x1] =	vst.idx.msk $0xffff, v7  }
0xcd: {  	v14 =	vcvt.s32.f32 v15;
	[tilespmem:v5+s28+$0x4220 ss:$0x1] =	vst.idx.msk $0xffff, v12;
	v7 =	vmul.f32 v9, v3;
	v13 =	vadd.f32 v13, v1  }
0xce: {  	v12 =	vcvt.s32.f32 v16;
	[tilespmem:v5+s28+$0x42A0 ss:$0x1] =	vst.idx.msk $0xffff, v8;
	v8 =	vadd.f32 v10, v2;
	v9 =	vmul.f32 v9, v4  }
0xcf: {  	v15 =	vmul.f32 v14, v3;
	v7 =	vadd.f32 v7, v1;
	[tilespmem:v5+s28+$0x4230 ss:$0x1] =	vst.idx.msk $0xffff, v13  }
0xd0: {  	v10 =	vmul.f32 v12, v3;
	[tilespmem:v5+s28+$0x42B0 ss:$0x1] =	vst.idx.msk $0xffff, v8;
	v9 =	vadd.f32 v9, v2  }
0xd1: {  	v8 =	vcvt.s32.f32 v11;
	v11 =	vmul.f32 v14, v4;
	v13 =	vadd.f32 v15, v1;
	[tilespmem:v5+s28+$0x4240 ss:$0x1] =	vst.idx.msk $0xffff, v7  }
0xd2: {  	v7 =	vadd.f32 v10, v1;
	v10 =	vmul.f32 v12, v4;
	[tilespmem:v5+s28+$0x42C0 ss:$0x1] =	vst.idx.msk $0xffff, v9  }
0xd3: {  	v12 =	vmul.f32 v8, v3;
	v11 =	vadd.f32 v11, v2;
	[tilespmem:v5+s28+$0x4250 ss:$0x1] =	vst.idx.msk $0xffff, v13  }
0xd4: {  	[tilespmem:v5+s28+$0x4260 ss:$0x1] =	vst.idx.msk $0xffff, v7;
	v7 =	vmul.f32 v8, v4;
	v8 =	vadd.f32 v10, v2  }
0xd5: {  	[tilespmem:v5+s28+$0x42D0 ss:$0x1] =	vst.idx.msk $0xffff, v11;
	v9 =	vadd.f32 v12, v1  }
0xd6: {  	s26 =	sor.u32 $0x1, s26;
	[tilespmem:v5+s28+$0x42E0 ss:$0x1] =	vst.idx.msk $0xffff, v8;
	v7 =	vadd.f32 v7, v2  }
0xd7: {  	s14 =	sshll.u32 s26, $0x7;
	[tilespmem:v5+s28+$0x4270 ss:$0x1] =	vst.idx.msk $0xffff, v9  }
0xd8: {  	s1 =	sadd.s32 s14, s1;
	[tilespmem:v5+s28+$0x42F0 ss:$0x1] =	vst.idx.msk $0xffff, v7  }
0xd9: {  	v7 =	vld.idx.msk [tilespmem:v6+s1+$0x0 ss:$0x1], $0xffff;
	_ =	sdelay $0x1  }
0xda: {  	v8 =	vld.idx.msk [tilespmem:v6+s1+$0x10 ss:$0x1], $0xffff;
	_ =	sdelay $0x1  }
0xdb: {  	v9 =	vld.idx.msk [tilespmem:v6+s1+$0x20 ss:$0x1], $0xffff  }
0xdc: {  	v7 =	vcvt.s32.f32 v7  }
0xdd: {  	v10 =	vld.idx.msk [tilespmem:v6+s1+$0x30 ss:$0x1], $0xffff  }
0xde: {  	v11 =	vld.idx.msk [tilespmem:v6+s1+$0x40 ss:$0x1], $0xffff;
	v8 =	vcvt.s32.f32 v8;
	v12 =	vmul.f32 v7, v3  }
0xdf: {  	v13 =	vld.idx.msk [tilespmem:v6+s1+$0x70 ss:$0x1], $0xffff;
	v7 =	vmul.f32 v7, v4  }
0xe0: {  	s26 =	sshll.u32 s26, $0xA;
	v14 =	vld.idx.msk [tilespmem:v6+s1+$0x50 ss:$0x1], $0xffff;
	v9 =	vcvt.s32.f32 v9;
	v15 =	vmul.f32 v8, v3;
	v12 =	vadd.f32 v12, v1  }
0xe1: {  	s30 =	sadd.s32 s0, s26;
	v62 =	vld.idx.msk [tilespmem:v6+s1+$0x60 ss:$0x1], $0xffff;
	v8 =	vmul.f32 v8, v4;
	v7 =	vadd.f32 v7, v2  }
0xe2: {  	v10 =	vcvt.s32.f32 v10;
	v63 =	vmul.f32 v9, v3;
	[tilespmem:v5+s30+$0x4200 ss:$0x1] =	vst.idx.msk $0xffff, v12;
	v12 =	vadd.f32 v15, v1  }
0xe3: {  	v9 =	vmul.f32 v9, v4;
	[tilespmem:v5+s30+$0x4280 ss:$0x1] =	vst.idx.msk $0xffff, v7;
	v7 =	vadd.f32 v8, v2  }
0xe4: {  	v11 =	vcvt.s32.f32 v11;
	v8 =	vadd.f32 v63, v1;
	[tilespmem:v5+s30+$0x4210 ss:$0x1] =	vst.idx.msk $0xffff, v12;
	v12 =	vmul.f32 v10, v3  }
0xe5: {  	[tilespmem:v5+s30+$0x4290 ss:$0x1] =	vst.idx.msk $0xffff, v7;
	v7 =	vadd.f32 v9, v2;
	v9 =	vmul.f32 v10, v4  }
0xe6: {  	v10 =	vcvt.s32.f32 v14;
	v14 =	vmul.f32 v11, v3;
	[tilespmem:v5+s30+$0x4220 ss:$0x1] =	vst.idx.msk $0xffff, v8;
	v12 =	vadd.f32 v12, v1  }
0xe7: {  	v11 =	vmul.f32 v11, v4;
	v8 =	vcvt.s32.f32 v62;
	[tilespmem:v5+s30+$0x42A0 ss:$0x1] =	vst.idx.msk $0xffff, v7;
	v9 =	vadd.f32 v9, v2  }
0xe8: {  	v7 =	vcvt.s32.f32 v13;
	v13 =	vmul.f32 v10, v3;
	[tilespmem:v5+s30+$0x4230 ss:$0x1] =	vst.idx.msk $0xffff, v12;
	v12 =	vadd.f32 v14, v1  }
0xe9: {  	s26 =	sadd.s32 s6, s22;
	v11 =	vadd.f32 v11, v2;
	[tilespmem:v5+s30+$0x42B0 ss:$0x1] =	vst.idx.msk $0xffff, v9;
	v14 =	vmul.f32 v8, v3  }
0xea: {  	s31 =	sshll.u32 s26, $0x7;
	v9 =	vmul.f32 v7, v3;
	[tilespmem:v5+s30+$0x4240 ss:$0x1] =	vst.idx.msk $0xffff, v12;
	v12 =	vadd.f32 v13, v1  }
0xeb: {  	s28 =	sand.u32 $0xF80, s31;
	v10 =	vmul.f32 v10, v4;
	[tilespmem:v5+s30+$0x42C0 ss:$0x1] =	vst.idx.msk $0xffff, v11;
	v11 =	vadd.f32 v14, v1  }
.LBB2_3:
0xec: {  	s25 =	sadd.s32 $0x2, s25;
	[tilespmem:v5+s30+$0x4250 ss:$0x1] =	vst.idx.msk $0xffff, v12;
	v8 =	vmul.f32 v8, v4;
	v9 =	vadd.f32 v9, v1  }
0xed: {  	v7 =	vmul.f32 v7, v4;
	s0 =	sand.u32 $0x6, s25;
	s1 =	sshll.u32 s25, $0x7;
	s29 =	sshll.u32 s25, $0x5;
	v10 =	vadd.f32 v10, v2;
	[tilespmem:v5+s30+$0x4260 ss:$0x1] =	vst.idx.msk $0xffff, v11  }
0xee: {  	s1 =	sand.u32 $0x3FFFFC00, s1;
	s29 =	sand.u32 $0xFFFFFF00, s29;
	s12 =	sshll.u32 s0, $0xA;
	v8 =	vadd.f32 v8, v2;
	[tilespmem:v5+s30+$0x4270 ss:$0x1] =	vst.idx.msk $0xffff, v9  }
0xef: {  	s31 =	sshll.u32 s0, $0x7;
	s13 =	sor.u32 $0x1, s0;
	v7 =	vadd.f32 v7, v2;
	s1 =	sor.u32 $0x200, s1;
	[tilespmem:v5+s30+$0x42D0 ss:$0x1] =	vst.idx.msk $0xffff, v10  }
0xf0: {  	s0 =	sshll.u32 s13, $0x7;
	s14 =	sadd.s32 s31, s1;
	s31 =	sshll.u32 s13, $0xA;
	[tilespmem:v5+s30+$0x42E0 ss:$0x1] =	vst.idx.msk $0xffff, v8  }
0xf1: {  	p0 =	slt.u32 s25, $0x1E;
	[tilespmem:v5+s30+$0x42F0 ss:$0x1] =	vst.idx.msk $0xffff, v7  }
0xf2: {  	v7 =	vld.idx.msk [tilespmem:v6+s14+$0x0 ss:$0x1], $0xffff  }
0xf3: {  	v8 =	vld.idx.msk [tilespmem:v6+s14+$0x10 ss:$0x1], $0xffff  }
0xf4: {  	v9 =	vld.idx.msk [tilespmem:v6+s14+$0x20 ss:$0x1], $0xffff;
	_ =	sdelay $0x3  }
0xf5: {  	v7 =	vcvt.s32.f32 v7;
	v10 =	vld.idx.msk [tilespmem:v6+s14+$0x70 ss:$0x1], $0xffff  }
0xf6: {  	v8 =	vcvt.s32.f32 v8;
	v11 =	vld.idx.msk [tilespmem:v6+s14+$0x60 ss:$0x1], $0xffff  }
0xf7: {  	v13 =	vmul.f32 v7, v3;
	v7 =	vmul.f32 v7, v4;
	v12 =	vld.idx.msk [tilespmem:v6+s14+$0x50 ss:$0x1], $0xffff  }
0xf8: {  	v9 =	vcvt.s32.f32 v9;
	v15 =	vmul.f32 v8, v3;
	v14 =	vld.idx.msk [tilespmem:v6+s14+$0x40 ss:$0x1], $0xffff  }
0xf9: {  	v8 =	vmul.f32 v8, v4;
	v13 =	vadd.f32 v13, v1;
	v7 =	vadd.f32 v7, v2;
	v16 =	vld.idx.msk [tilespmem:v6+s14+$0x30 ss:$0x1], $0xffff  }
0xfa: {  	s30 =	sadd.s32 s29, s12;
	v17 =	vmul.f32 v9, v3;
	v9 =	vmul.f32 v9, v4;
	v15 =	vadd.f32 v15, v1  }
0xfb: {  	v8 =	vadd.f32 v8, v2;
	v10 =	vcvt.s32.f32 v10;
	[tilespmem:v5+s30+$0x4200 ss:$0x1] =	vst.idx.msk $0xffff, v13  }
0xfc: {  	v9 =	vadd.f32 v9, v2;
	v11 =	vcvt.s32.f32 v11;
	v13 =	vadd.f32 v17, v1;
	[tilespmem:v5+s30+$0x4210 ss:$0x1] =	vst.idx.msk $0xffff, v15  }
0xfd: {  	v12 =	vcvt.s32.f32 v12;
	[tilespmem:v5+s30+$0x4280 ss:$0x1] =	vst.idx.msk $0xffff, v7;
	v7 =	vmul.f32 v10, v4  }
0xfe: {  	v14 =	vcvt.s32.f32 v14;
	[tilespmem:v5+s30+$0x4220 ss:$0x1] =	vst.idx.msk $0xffff, v13;
	v13 =	vmul.f32 v11, v4  }
0xff: {  	v15 =	vcvt.s32.f32 v16;
	[tilespmem:v5+s30+$0x4290 ss:$0x1] =	vst.idx.msk $0xffff, v8;
	v8 =	vmul.f32 v12, v3  }
0x100: {  	v12 =	vmul.f32 v12, v4;
	[tilespmem:v5+s30+$0x42A0 ss:$0x1] =	vst.idx.msk $0xffff, v9;
	v9 =	vmul.f32 v14, v4  }
0x101: {  	v16 =	vmul.f32 v15, v3;
	v15 =	vmul.f32 v15, v4  }
0x102: {  	v10 =	vmul.f32 v10, v3;
	v14 =	vmul.f32 v14, v3  }
0x103: {  	v16 =	vadd.f32 v16, v1;
	v15 =	vadd.f32 v15, v2  }
0x104: {  	v14 =	vadd.f32 v14, v1  }
0x105: {  	v11 =	vmul.f32 v11, v3;
	v8 =	vadd.f32 v8, v1;
	[tilespmem:v5+s30+$0x4230 ss:$0x1] =	vst.idx.msk $0xffff, v16  }
0x106: {  	v9 =	vadd.f32 v9, v2;
	[tilespmem:v5+s30+$0x42B0 ss:$0x1] =	vst.idx.msk $0xffff, v15  }
0x107: {  	v11 =	vadd.f32 v11, v1;
	[tilespmem:v5+s30+$0x4240 ss:$0x1] =	vst.idx.msk $0xffff, v14  }
0x108: {  	[tilespmem:v5+s30+$0x4250 ss:$0x1] =	vst.idx.msk $0xffff, v8  }
0x109: {  	v8 =	vadd.f32 v12, v2;
	[tilespmem:v5+s30+$0x4260 ss:$0x1] =	vst.idx.msk $0xffff, v11  }
0x10a: {  	[tilespmem:v5+s30+$0x42C0 ss:$0x1] =	vst.idx.msk $0xffff, v9;
	v9 =	vadd.f32 v13, v2  }
0x10b: {  	[tilespmem:v5+s30+$0x42D0 ss:$0x1] =	vst.idx.msk $0xffff, v8;
	v8 =	vadd.f32 v10, v1  }
0x10c: {  	v7 =	vadd.f32 v7, v2;
	[tilespmem:v5+s30+$0x42E0 ss:$0x1] =	vst.idx.msk $0xffff, v9  }
0x10d: {  	[tilespmem:v5+s30+$0x4270 ss:$0x1] =	vst.idx.msk $0xffff, v8  }
0x10e: {  	s0 =	sadd.s32 s0, s1;
	[tilespmem:v5+s30+$0x42F0 ss:$0x1] =	vst.idx.msk $0xffff, v7  }
0x10f: {  	v7 =	vld.idx.msk [tilespmem:v6+s0+$0x0 ss:$0x1], $0xffff  }
0x110: {  	v8 =	vld.idx.msk [tilespmem:v6+s0+$0x10 ss:$0x1], $0xffff  }
0x111: {  	v9 =	vld.idx.msk [tilespmem:v6+s0+$0x20 ss:$0x1], $0xffff;
	_ =	sdelay $0x3  }
0x112: {  	v7 =	vcvt.s32.f32 v7;
	v10 =	vld.idx.msk [tilespmem:v6+s0+$0x30 ss:$0x1], $0xffff  }
0x113: {  	v8 =	vcvt.s32.f32 v8  }
0x114: {  	v12 =	vmul.f32 v7, v3;
	v7 =	vmul.f32 v7, v4;
	v11 =	vld.idx.msk [tilespmem:v6+s0+$0x40 ss:$0x1], $0xffff  }
0x115: {  	v9 =	vcvt.s32.f32 v9;
	v14 =	vmul.f32 v8, v4;
	v13 =	vld.idx.msk [tilespmem:v6+s0+$0x70 ss:$0x1], $0xffff  }
0x116: {  	v8 =	vmul.f32 v8, v3;
	v12 =	vadd.f32 v12, v1;
	v7 =	vadd.f32 v7, v2;
	v15 =	vld.idx.msk [tilespmem:v6+s0+$0x50 ss:$0x1], $0xffff  }
0x117: {  	s30 =	sadd.s32 s29, s31;
	v17 =	vmul.f32 v9, v3;
	v9 =	vmul.f32 v9, v4;
	v16 =	vld.idx.msk [tilespmem:v6+s0+$0x60 ss:$0x1], $0xffff  }
0x118: {  	v8 =	vadd.f32 v8, v1;
	v10 =	vcvt.s32.f32 v10;
	[tilespmem:v5+s30+$0x4200 ss:$0x1] =	vst.idx.msk $0xffff, v12  }
0x119: {  	v12 =	vadd.f32 v14, v2;
	[tilespmem:v5+s30+$0x4280 ss:$0x1] =	vst.idx.msk $0xffff, v7  }
0x11a: {  	v11 =	vcvt.s32.f32 v11;
	v14 =	vmul.f32 v10, v3;
	[tilespmem:v5+s30+$0x4210 ss:$0x1] =	vst.idx.msk $0xffff, v8;
	v8 =	vadd.f32 v17, v1  }
0x11b: {  	v9 =	vadd.f32 v9, v2;
	v10 =	vmul.f32 v10, v4;
	v7 =	vcvt.s32.f32 v13;
	[tilespmem:v5+s30+$0x4290 ss:$0x1] =	vst.idx.msk $0xffff, v12  }
0x11c: {  	v13 =	vcvt.s32.f32 v15;
	v12 =	vadd.f32 v14, v1;
	v14 =	vmul.f32 v11, v3;
	[tilespmem:v5+s30+$0x4220 ss:$0x1] =	vst.idx.msk $0xffff, v8  }
.Ltmp0:
0x11d: {  	v8 =	vcvt.s32.f32 v16;
	[tilespmem:v5+s30+$0x42A0 ss:$0x1] =	vst.idx.msk $0xffff, v9;
	v9 =	vadd.f32 v10, v2;
	v10 =	vmul.f32 v11, v4;
	(pc) =	sbr.rel @p0 .LBB2_3-.Ltmp0, $4  }
0x11e: {  	v11 =	vadd.f32 v14, v1;
	[tilespmem:v5+s30+$0x4230 ss:$0x1] =	vst.idx.msk $0xffff, v12;
	v12 =	vmul.f32 v13, v3  }
0x11f: {  	v14 =	vmul.f32 v8, v3;
	[tilespmem:v5+s30+$0x42B0 ss:$0x1] =	vst.idx.msk $0xffff, v9;
	v10 =	vadd.f32 v10, v2  }
0x120: {  	v9 =	vmul.f32 v7, v3;
	[tilespmem:v5+s30+$0x4240 ss:$0x1] =	vst.idx.msk $0xffff, v11;
	v12 =	vadd.f32 v12, v1  }
0x121: {  	v11 =	vadd.f32 v14, v1;
	[tilespmem:v5+s30+$0x42C0 ss:$0x1] =	vst.idx.msk $0xffff, v10;
	v10 =	vmul.f32 v13, v4  }
0x122: {  	_ =	sdelay $0x3  }
0x123: {  	[tilespmem:v5+s30+$0x4250 ss:$0x1] =	vst.idx.msk $0xffff, v12;
	v6 =	vmul.f32 v8, v4;
	v62 =	vadd.f32 v9, v1;
	s22 =	sadd.s32 $0x1, s22  }
0x124: {  	v7 =	vmul.f32 v7, v4;
	v63 =	vadd.f32 v10, v2;
	[tilespmem:v5+s30+$0x4260 ss:$0x1] =	vst.idx.msk $0xffff, v11;
	p0 =	sne.s32 s22, $0x19  }
.Ltmp1:
0x125: {  	v6 =	vadd.f32 v6, v2;
	[tilespmem:v5+s30+$0x4270 ss:$0x1] =	vst.idx.msk $0xffff, v62;
	(pc) =	sbr.rel @p0 .LBB2_2-.Ltmp1, $4  }
0x126: {  	s0 =	sshll.u32 s26, $0xA;
	v7 =	vadd.f32 v7, v2;
	[tilespmem:v5+s30+$0x42D0 ss:$0x1] =	vst.idx.msk $0xffff, v63  }
0x127: {  	s1 =	sadd.s32 s3, s28;
	s0 =	sand.u32 $0xFFF8000, s0;
	[tilespmem:v5+s30+$0x42E0 ss:$0x1] =	vst.idx.msk $0xffff, v6  }
0x128: {  	s12 =	sadd.s32 $0x4200, s24;
	s0 =	sadd.s32 s0, s1;
	[tilespmem:v5+s30+$0x42F0 ss:$0x1] =	vst.idx.msk $0xffff, v7  }
0x129: {  	[hbm4b:s0+s15] =	stream.strided.scatter [tilespmem:s12], [sflag:s23], $0x2000, s16, s15, $0x38;
	[tilespmem:$0xC200] =	vst v63  }
0x12a: {  	_ =	swait.ge [sflag:s17], $0x2000  }
0x12b: {  	[sflag:s17] =	ssyncset.done $0x0  }
0x12c: {  	[sflag:s17] =	ssyncadd.s32 $0xFFFFE000  }
0x12d: {  	_ =	swait.ge [sflag:s18], $0x2000  }
0x12e: {  	[sflag:s18] =	ssyncset.done $0x0  }
0x12f: {  	s21 =	sadd.s32 $0x1, s21;
	[sflag:s18] =	ssyncadd.s32 $0xFFFFE000  }
0x130: {  	p0 =	sne.s32 s21, s10;
	_ =	swait.ge [sflag:s19], $0x2000  }
.Ltmp2:
0x131: {  	[sflag:s19] =	ssyncset.done $0x0;
	(pc) =	sbr.rel @p0 .LBB2_1-.Ltmp2, $4  }
0x132: {  	[sflag:s19] =	ssyncadd.s32 $0xFFFFE000  }
0x133: {  	_ =	swait.ge [sflag:s20], $0x2000  }
0x134: {  	[sflag:s20] =	ssyncset.done $0x0  }
0x135: {  	[sflag:s20] =	ssyncadd.s32 $0xFFFFE000  }
0x136: {  	_ =	sfence.sel $0x180000  }
0x137: {  	[bflag:$0x0] =	sbarrier.arrive $0xFFFF  }
0x138: {  	_ =	strace $0x90000047  }
0x139: {  	s0 =	stileid.u32;
	[bflag:$0x2] =	sbarrier.arrive $0xFFFF  }
0x13a: {  	p0 =	sne.s32 s0, $0x0;
	s0 =	rddreg [dreg:$0x3]  }
0x13b: {  	s0 =	sadd.s32 @!p0 $0x100000, s0  }
0x13c: {  	[sflag:s0] =	ssyncadd.tile.s32 @!p0 $0x1;
	_ =	shalt  }
.Lfunc_end2:
_tile_overlayer_lowered:
.L_overlay_start_2:
0x13d: {  	(tag) =	ssettag $0x2  }
0x13e: {  	s0 =	rddreg [dreg:$0x0];
	s2 =	stileid.u32  }
0x13f: {  	s1 =	rddreg [dreg:$0x1];
	p0 =	sne.s32 s2, $0x0  }
0x140: {  	s3 =	rddreg [dreg:$0x2];
	[bflag:$0x3] =	sbarrier.arrive $0xFFFF;
	s2 =	simm.s32 @!p0 $0x1C09  }
0x141: {  	[timem:s3], [sflag:s2] =	dma.local @!p0 [hbm:s0], s1  }
0x142: {  	s0 =	simm.s32 @!p0 $0x9  }
0x143: {  	_ =	swait.ge @!p0 [sflag:s0], s1  }
0x144: {  	s1 =	ssub.s32 @!p0 $0x0, s1;
	[sflag:s0] =	ssyncset.done @!p0 $0x0  }
0x145: {  	[sflag:s0] =	ssyncadd.s32 @!p0 s1  }
0x146: {  	[bflag:$0x3] =	sbarrier.arrive $0xFFFF  }
0x147: {  	_ =	shalt  }

</sc_bundles>
